<compile_context>
chip_gen: v7x
topology: tpu7x:2x2x1
jax: 0.10.2.dev20260603
libtpu: 0.0.44.dev20260713+nightly
codegen_flags: <defaults>
</compile_context>

<pallas_src>
import functools

import jax
import jax.numpy as jnp
from jax import lax
from jax.experimental import pallas as pl
from jax.experimental.pallas import tpu as pltpu
from jax.experimental.pallas import tpu_sc as plsc

_EMBED_DIM = 16
_INPUT_DIM = 64
_HIDDEN = 64
_BATCH = 16384
_NT = _BATCH // 128

_NC = 2
_NS = 16
_NW = _NC * _NS
_BPW = _BATCH // _NW
_CHUNK = 128
_NCHUNK = _BPW // _CHUNK


def _sc_gather(tableT, idx3):
    mesh = plsc.VectorSubcoreMesh(core_axis_name="c", subcore_axis_name="s")

    @functools.partial(
        pl.kernel,
        mesh=mesh,
        compiler_params=pltpu.CompilerParams(use_tc_tiling_on_sc=False,
                                             needs_layout_passes=False),
        out_type=jax.ShapeDtypeStruct((_NT, _EMBED_DIM, _CHUNK), jnp.float32),
        scratch_types=[
            pltpu.VMEM((_NCHUNK, _CHUNK), jnp.int32),
            pltpu.VMEM((_NCHUNK, _EMBED_DIM, _CHUNK), jnp.float32),
            pltpu.SemaphoreType.DMA,
        ],
    )
    def gather_kernel(table_hbm, idx_hbm, out_hbm, idx_v, slab_v, sem):
        wid = lax.axis_index("s") * _NC + lax.axis_index("c")
        pltpu.sync_copy(idx_hbm.at[wid], idx_v)

        def fire(i, carry):
            j = lax.shift_right_logical(i, 2)
            c = i & 3
            pltpu.make_async_copy(
                table_hbm.at[j].at[idx_v.at[c]],
                slab_v.at[c, j],
                sem,
            ).start()
            return carry

        lax.fori_loop(0, _EMBED_DIM * _NCHUNK, fire, 0)
        pltpu.make_async_copy(
            out_hbm.at[pl.ds(wid * _NCHUNK, _NCHUNK)], slab_v, sem).wait()
        pltpu.sync_copy(slab_v, out_hbm.at[pl.ds(wid * _NCHUNK, _NCHUNK)])

    return gather_kernel(tableT, idx3)


_BC = 8192
_TPB = _BC // 128


def _mlp1_body(featT_ref, w1T_ref, b1c_ref, xf_ref):
    w1fT = w1T_ref[:, _EMBED_DIM:]
    xf = jnp.dot(w1fT, featT_ref[...],
                 preferred_element_type=jnp.float32) + b1c_ref[...]
    xf_ref[...] = xf.astype(jnp.bfloat16)


def _tc_mlp1(featT, w1T, b1c):
    grid = (_BATCH // _BC,)
    return pl.pallas_call(
        _mlp1_body,
        grid=grid,
        in_specs=[
            pl.BlockSpec((_INPUT_DIM, _BC), lambda i: (0, i)),
            pl.BlockSpec((_INPUT_DIM, _EMBED_DIM + _INPUT_DIM),
                         lambda i: (0, 0)),
            pl.BlockSpec((_HIDDEN, 1), lambda i: (0, 0)),
        ],
        out_specs=pl.BlockSpec((_HIDDEN, _BC), lambda i: (0, i)),
        out_shape=jax.ShapeDtypeStruct((_HIDDEN, _BATCH), jnp.bfloat16),
    )(featT, w1T, b1c)


def _mlp2_body(xf_ref, e_ref, w1T_ref, w2c_ref, b2_ref, out_ref):
    w1eT = w1T_ref[:, 0:_EMBED_DIM]
    e = e_ref[...]
    xe = jnp.concatenate(
        [jnp.dot(w1eT, e[t], preferred_element_type=jnp.float32)
         for t in range(_TPB)], axis=1)
    hT = jnp.maximum(xf_ref[...].astype(jnp.float32) + xe, 0.0)
    o = jnp.sum(hT * w2c_ref[...], axis=0) + b2_ref[0, 0]
    out_ref[...] = jnp.concatenate(
        [o.reshape(1, _BC), jnp.zeros((7, _BC), jnp.float32)], axis=0)


def _tc_mlp2(xfT, E, w1T, w2c, b2r):
    grid = (_BATCH // _BC,)
    return pl.pallas_call(
        _mlp2_body,
        grid=grid,
        in_specs=[
            pl.BlockSpec((_HIDDEN, _BC), lambda i: (0, i)),
            pl.BlockSpec((_TPB, _EMBED_DIM, _CHUNK), lambda i: (i, 0, 0)),
            pl.BlockSpec((_INPUT_DIM, _EMBED_DIM + _INPUT_DIM),
                         lambda i: (0, 0)),
            pl.BlockSpec((_HIDDEN, 1), lambda i: (0, 0)),
            pl.BlockSpec((1, 1), lambda i: (0, 0)),
        ],
        out_specs=pl.BlockSpec((8, _BC), lambda i: (0, i)),
        out_shape=jax.ShapeDtypeStruct((8, _BATCH), jnp.float32),
    )(xfT, E, w1T, w2c, b2r)


def kernel(pitcher_id, features, table, W1, b1, W2, b2):
    pid = pitcher_id.astype(jnp.int32)
    idx3 = pid.reshape(_NW, _NCHUNK, _CHUNK)
    w1T = W1.T
    E = _sc_gather(table.T, idx3)
    xfT = _tc_mlp1(features.T, w1T, b1.reshape(_HIDDEN, 1))
    out8 = _tc_mlp2(xfT, E, w1T, W2, b2.reshape(1, 1))
    return out8[:1, :].reshape(_BATCH, 1)

# --- scband reference (transcript-rebuilt; emitter-appended) ---
"""Pipeline reference for scband-pitch-count-model-11123965296853 (READ-ONLY COPY).

The authoritative reference and input builder live on the scoring server;
editing this copy changes nothing except your own understanding.
"""

import jax, jax.numpy as jnp
import numpy as np

NUM_PITCHERS = 100000
EMBED_DIM = 16
INPUT_DIM = 64
HIDDEN = 64
BATCH = 16384

def setup_inputs(seed: int = 0) -> dict:
    key = jax.random.key(seed)
    k1, k2, k3, k4, k5, k6, k7 = jax.random.split(key, 7)
    pitcher_id = jax.random.randint(k1, (BATCH,), 0, NUM_PITCHERS, dtype=jnp.int64 if jax.config.jax_enable_x64 else jnp.int32)
    features = jax.random.normal(k2, (BATCH, INPUT_DIM), dtype=jnp.float32)
    table = jax.random.normal(k3, (NUM_PITCHERS, EMBED_DIM), dtype=jnp.float32) * 0.02
    in_dim = INPUT_DIM + EMBED_DIM
    W1 = jax.random.normal(k4, (in_dim, HIDDEN), dtype=jnp.float32) * (1.0 / np.sqrt(in_dim))
    b1 = jnp.zeros((HIDDEN,), dtype=jnp.float32)
    W2 = jax.random.normal(k5, (HIDDEN, 1), dtype=jnp.float32) * (1.0 / np.sqrt(HIDDEN))
    b2 = jnp.zeros((1,), dtype=jnp.float32)
    return {"pitcher_id": pitcher_id, "features": features, "table": table, "W1": W1, "b1": b1, "W2": W2, "b2": b2}

def reference(pitcher_id, features, table, W1, b1, W2, b2):
    # embedding lookup (gather)
    pitcher_embed = jnp.take(table, pitcher_id, axis=0)
    x = jnp.concatenate([pitcher_embed, features], axis=1)
    # MLP: Linear -> ReLU -> Linear
    h = jnp.maximum(x @ W1 + b1, 0.0)
    out = h @ W2 + b2
    return out

if __name__ == "__main__":
    import jax
    _d = setup_inputs()
    print(jax.jit(kernel)(*tuple(_d.values())))

</pallas_src>

<mosaic_0001>
#map = affine_map<(d0, d1) -> (0, 0)>
#map1 = affine_map<(d0, d1) -> (0, 0, 0)>
module attributes {stable_mosaic.version = 14 : i64} {
  func.func @gather_kernel(%arg0: i32, %arg1: i32, %arg2: memref<16x100000xf32, #tpu.memory_space<hbm>>, %arg3: memref<32x4x128xi32, #tpu.memory_space<hbm>>, %arg4: memref<128x16x128xf32, #tpu.memory_space<hbm>>, %arg5: memref<4x128xi32, #tpu.memory_space<vmem>>, %arg6: memref<4x16x128xf32, #tpu.memory_space<vmem>>, %arg7: memref<!tpu.dma_semaphore, #tpu.memory_space<semaphore_mem>>) attributes {dimension_semantics = [#tpu.dimension_semantics<core_parallel>, #tpu.dimension_semantics<subcore_parallel>], iteration_bounds = array<i64: 2, 16>, scalar_prefetch = 0 : i64, scratch_operands = 3 : i64, tpu.core_type = #tpu.core_type<sc_vector_subcore>, window_params = [{transform_indices = #map}, {transform_indices = #map1}, {transform_indices = #map1}]} {
    %mul3A = arith.constant 2 : i32
    %mul3A_0 = arith.muli %arg1, %mul3A : i32
    %add3A = arith.addi %mul3A_0, %arg0 : i32
    "tpu.region"() ({
      %run_scoped3A = tpu.sem_alloc : memref<!tpu.dma_semaphore, #tpu.memory_space<semaphore_mem>>
      %dma_start3A = arith.constant 0 : i32
      %dma_start3A_15 = arith.constant 0 : i32
      %dma_start3A_16 = tpu.memref_slice %arg3[%add3A, %dma_start3A, %dma_start3A_15] : memref<32x4x128xi32, #tpu.memory_space<hbm>> -> memref<1x4x128xi32, #tpu.memory_space<hbm>>
      %dma_start3A_17 = tpu.memref_squeeze %dma_start3A_16 : memref<1x4x128xi32, #tpu.memory_space<hbm>> -> memref<4x128xi32, #tpu.memory_space<hbm>>
      %dma_start3A_18 = arith.constant 0 : i32
      %dma_start3A_19 = arith.constant 0 : i32
      %dma_start3A_20 = tpu.memref_slice %arg3[%add3A, %dma_start3A_18, %dma_start3A_19] : memref<32x4x128xi32, #tpu.memory_space<hbm>> -> memref<1x4x128xi32, #tpu.memory_space<hbm>>
      %dma_start3A_21 = tpu.memref_squeeze %dma_start3A_20 : memref<1x4x128xi32, #tpu.memory_space<hbm>> -> memref<4x128xi32, #tpu.memory_space<hbm>>
      tpu.enqueue_dma source(%dma_start3A_21 : memref<4x128xi32, #tpu.memory_space<hbm>>) target(%arg5 : memref<4x128xi32, #tpu.memory_space<vmem>>) target_semaphore(%run_scoped3A : memref<!tpu.dma_semaphore, #tpu.memory_space<semaphore_mem>>)
      %dma_wait3A_22 = arith.constant 0 : i32
      %dma_wait3A_23 = arith.constant 0 : i32
      %dma_wait3A_24 = tpu.memref_slice %arg3[%add3A, %dma_wait3A_22, %dma_wait3A_23] : memref<32x4x128xi32, #tpu.memory_space<hbm>> -> memref<1x4x128xi32, #tpu.memory_space<hbm>>
      %dma_wait3A_25 = tpu.memref_squeeze %dma_wait3A_24 : memref<1x4x128xi32, #tpu.memory_space<hbm>> -> memref<4x128xi32, #tpu.memory_space<hbm>>
      %dma_wait3A_26 = arith.constant 0 : i32
      %dma_wait3A_27 = arith.constant 0 : i32
      %dma_wait3A_28 = tpu.memref_slice %arg3[%add3A, %dma_wait3A_26, %dma_wait3A_27] : memref<32x4x128xi32, #tpu.memory_space<hbm>> -> memref<1x4x128xi32, #tpu.memory_space<hbm>>
      %dma_wait3A_29 = tpu.memref_squeeze %dma_wait3A_28 : memref<1x4x128xi32, #tpu.memory_space<hbm>> -> memref<4x128xi32, #tpu.memory_space<hbm>>
      tpu.wait_dma2 semaphore(%run_scoped3A : memref<!tpu.dma_semaphore, #tpu.memory_space<semaphore_mem>>) src(%dma_wait3A_29 : memref<4x128xi32, #tpu.memory_space<hbm>>) dst(%arg5 : memref<4x128xi32, #tpu.memory_space<vmem>>)
      tpu.yield
    }) : () -> ()
    %scan3A = arith.constant 0 : i32
    %scan3A_1 = arith.constant 0 : i32
    %scan3A_2 = arith.constant 64 : i32
    %scan3A_3 = arith.addi %scan3A_1, %scan3A_2 : i32
    %scan3A_4 = arith.constant 1 : i32
    scf.for %scan3A_15 = %scan3A_1 to %scan3A_3 step %scan3A_4  : i32 {
      %shift_right_logical3A = arith.constant 2 : i32
      %shift_right_logical3A_16 = arith.shrui %scan3A_15, %shift_right_logical3A : i32
      %and3A = arith.constant 3 : i32
      %and3A_17 = arith.andi %scan3A_15, %and3A : i32
      %dma_start3A = arith.constant 0 : i32
      %dma_start3A_18 = tpu.memref_slice %arg6[%and3A_17, %shift_right_logical3A_16, %dma_start3A] : memref<4x16x128xf32, #tpu.memory_space<vmem>> -> memref<1x1x128xf32, #tpu.memory_space<vmem>>
      %dma_start3A_19 = tpu.memref_squeeze %dma_start3A_18 : memref<1x1x128xf32, #tpu.memory_space<vmem>> -> memref<128xf32, #tpu.memory_space<vmem>>
      %dma_start3A_20 = arith.constant 0 : i32
      %dma_start3A_21 = tpu.memref_slice %arg5[%and3A_17, %dma_start3A_20] : memref<4x128xi32, #tpu.memory_space<vmem>> -> memref<1x128xi32, #tpu.memory_space<vmem>>
      %dma_start3A_22 = tpu.memref_squeeze %dma_start3A_21 : memref<1x128xi32, #tpu.memory_space<vmem>> -> memref<128xi32, #tpu.memory_space<vmem>>
      %dma_start3A_23 = arith.constant 0 : i32
      %dma_start3A_24 = tpu.memref_slice %arg2[%shift_right_logical3A_16, %dma_start3A_23] : memref<16x100000xf32, #tpu.memory_space<hbm>> -> memref<1x100000xf32, #tpu.memory_space<hbm>>
      %dma_start3A_25 = tpu.memref_squeeze %dma_start3A_24 : memref<1x100000xf32, #tpu.memory_space<hbm>> -> memref<100000xf32, #tpu.memory_space<hbm>>
      %dma_start3A_26 = arith.constant 0 : i32
      %dma_start3A_27 = tpu.memref_slice %dma_start3A_25[%dma_start3A_26] : memref<100000xf32, #tpu.memory_space<hbm>> -> memref<100000xf32, #tpu.memory_space<hbm>>
      tpu.enqueue_indirect_dma source(%dma_start3A_27 : memref<100000xf32, #tpu.memory_space<hbm>>) target(%dma_start3A_19 : memref<128xf32, #tpu.memory_space<vmem>>) offsets(%dma_start3A_22 : memref<128xi32, #tpu.memory_space<vmem>>) semaphore(%arg7 : memref<!tpu.dma_semaphore, #tpu.memory_space<semaphore_mem>>)
    }
    %scan3A_5 = arith.constant 64 : i32
    %mul3A_6 = arith.constant 4 : i32
    %mul3A_7 = arith.muli %add3A, %mul3A_6 : i32
    %dma_wait3A = arith.constant 0 : i32
    %dma_wait3A_8 = arith.constant 0 : i32
    %dma_wait3A_9 = tpu.memref_slice %arg4[%mul3A_7, %dma_wait3A, %dma_wait3A_8] : memref<128x16x128xf32, #tpu.memory_space<hbm>> -> memref<4x16x128xf32, #tpu.memory_space<hbm>>
    %dma_wait3A_10 = arith.constant 0 : i32
    %dma_wait3A_11 = arith.constant 0 : i32
    %dma_wait3A_12 = tpu.memref_slice %arg4[%mul3A_7, %dma_wait3A_10, %dma_wait3A_11] : memref<128x16x128xf32, #tpu.memory_space<hbm>> -> memref<4x16x128xf32, #tpu.memory_space<hbm>>
    tpu.wait_dma2 semaphore(%arg7 : memref<!tpu.dma_semaphore, #tpu.memory_space<semaphore_mem>>) src(%dma_wait3A_12 : memref<4x16x128xf32, #tpu.memory_space<hbm>>) dst(%arg6 : memref<4x16x128xf32, #tpu.memory_space<vmem>>)
    %mul3A_13 = arith.constant 4 : i32
    %mul3A_14 = arith.muli %add3A, %mul3A_13 : i32
    "tpu.region"() ({
      %run_scoped3A = tpu.sem_alloc : memref<!tpu.dma_semaphore, #tpu.memory_space<semaphore_mem>>
      %dma_start3A = arith.constant 0 : i32
      %dma_start3A_15 = arith.constant 0 : i32
      %dma_start3A_16 = tpu.memref_slice %arg4[%mul3A_14, %dma_start3A, %dma_start3A_15] : memref<128x16x128xf32, #tpu.memory_space<hbm>> -> memref<4x16x128xf32, #tpu.memory_space<hbm>>
      %dma_start3A_17 = arith.constant 0 : i32
      %dma_start3A_18 = arith.constant 0 : i32
      %dma_start3A_19 = tpu.memref_slice %arg4[%mul3A_14, %dma_start3A_17, %dma_start3A_18] : memref<128x16x128xf32, #tpu.memory_space<hbm>> -> memref<4x16x128xf32, #tpu.memory_space<hbm>>
      tpu.enqueue_dma source(%arg6 : memref<4x16x128xf32, #tpu.memory_space<vmem>>) target(%dma_start3A_19 : memref<4x16x128xf32, #tpu.memory_space<hbm>>) target_semaphore(%run_scoped3A : memref<!tpu.dma_semaphore, #tpu.memory_space<semaphore_mem>>)
      %dma_wait3A_20 = arith.constant 0 : i32
      %dma_wait3A_21 = arith.constant 0 : i32
      %dma_wait3A_22 = tpu.memref_slice %arg4[%mul3A_14, %dma_wait3A_20, %dma_wait3A_21] : memref<128x16x128xf32, #tpu.memory_space<hbm>> -> memref<4x16x128xf32, #tpu.memory_space<hbm>>
      %dma_wait3A_23 = arith.constant 0 : i32
      %dma_wait3A_24 = arith.constant 0 : i32
      %dma_wait3A_25 = tpu.memref_slice %arg4[%mul3A_14, %dma_wait3A_23, %dma_wait3A_24] : memref<128x16x128xf32, #tpu.memory_space<hbm>> -> memref<4x16x128xf32, #tpu.memory_space<hbm>>
      tpu.wait_dma2 semaphore(%run_scoped3A : memref<!tpu.dma_semaphore, #tpu.memory_space<semaphore_mem>>) src(%arg6 : memref<4x16x128xf32, #tpu.memory_space<vmem>>) dst(%dma_wait3A_25 : memref<4x16x128xf32, #tpu.memory_space<hbm>>)
      tpu.yield
    }) : () -> ()
    return
  }
}

module attributes {stable_mosaic.version = 14 : i64} {
  func.func @_mlp1_body(%arg0: i32, %arg1: memref<64x8192xf32, #tpu.memory_space<vmem>>, %arg2: memref<64x80xf32, #tpu.memory_space<vmem>>, %arg3: memref<64x1xf32, #tpu.memory_space<vmem>>, %arg4: memref<64x8192xbf16, #tpu.memory_space<vmem>>) attributes {dimension_semantics = [#tpu.dimension_semantics<arbitrary>], iteration_bounds = array<i64: 2>, scalar_prefetch = 0 : i64, scratch_operands = 0 : i64, tpu.core_type = #tpu.core_type<tc>, window_params = [{transform_indices = @transform_0, window_bounds = array<i64: 64, 8192>}, {pipeline_mode = #tpu.pipeline_mode<synchronous>, transform_indices = @transform_1, window_bounds = array<i64: 64, 80>}, {pipeline_mode = #tpu.pipeline_mode<synchronous>, transform_indices = @transform_2, window_bounds = array<i64: 64, 1>}, {transform_indices = @transform_3, window_bounds = array<i64: 64, 8192>}]} {
    %get3A = arith.constant 0 : index
    %get3A_0 = arith.constant 16 : index
    %get3A_1 = vector.load %arg2[%get3A, %get3A_0] : memref<64x80xf32, #tpu.memory_space<vmem>>, vector<64x64xf32>
    %get3A_2 = arith.constant 0 : index
    %get3A_3 = arith.constant 0 : index
    %get3A_4 = vector.load %arg1[%get3A_2, %get3A_3] : memref<64x8192xf32, #tpu.memory_space<vmem>>, vector<64x8192xf32>
    %dot_general3A = arith.constant dense<0.000000e+00> : vector<64x8192xf32>
    %dot_general3A_5 = tpu.matmul %get3A_1, %get3A_4, %dot_general3A {dimension_numbers = #tpu.dot_dimension_numbers<[1], [0], [0], [1], [0, 0, 1, 1], [], []>, transpose_lhs_hint = false} : vector<64x64xf32>, vector<64x8192xf32>, vector<64x8192xf32> -> vector<64x8192xf32>
    %get3A_6 = arith.constant 0 : index
    %get3A_7 = arith.constant 0 : index
    %get3A_8 = vector.load %arg3[%get3A_6, %get3A_7] : memref<64x1xf32, #tpu.memory_space<vmem>>, vector<64x1xf32>
    %add3A = vector.broadcast %get3A_8 : vector<64x1xf32> to vector<64x8192xf32>
    %add3A_9 = arith.addf %dot_general3A_5, %add3A : vector<64x8192xf32>
    %convert_element_type3A = arith.truncf %add3A_9 : vector<64x8192xf32> to vector<64x8192xbf16>
    %swap3A = arith.constant 0 : index
    %swap3A_10 = arith.constant 0 : index
    %swap3A_11 = vector.load %arg4[%swap3A, %swap3A_10] : memref<64x8192xbf16, #tpu.memory_space<vmem>>, vector<64x8192xbf16>
    tpu.vector_store %arg4[%swap3A, %swap3A_10], %convert_element_type3A {strides = array<i32>} : memref<64x8192xbf16, #tpu.memory_space<vmem>>, vector<64x8192xbf16>,
    return
  }
  func.func @transform_0(%arg0: i32) -> (i32, i32) {
    %c0_i32 = arith.constant 0 : i32
    %c0_i32_0 = arith.constant 0 : i32
    return %c0_i32, %arg0 : i32, i32
  }
  func.func @transform_1(%arg0: i32) -> (i32, i32) {
    %c0_i32 = arith.constant 0 : i32
    %c0_i32_0 = arith.constant 0 : i32
    %c0_i32_1 = arith.constant 0 : i32
    return %c0_i32, %c0_i32_0 : i32, i32
  }
  func.func @transform_2(%arg0: i32) -> (i32, i32) {
    %c0_i32 = arith.constant 0 : i32
    %c0_i32_0 = arith.constant 0 : i32
    %c0_i32_1 = arith.constant 0 : i32
    return %c0_i32, %c0_i32_0 : i32, i32
  }
  func.func @transform_3(%arg0: i32) -> (i32, i32) {
    %c0_i32 = arith.constant 0 : i32
    %c0_i32_0 = arith.constant 0 : i32
    return %c0_i32, %arg0 : i32, i32
  }
}

module attributes {stable_mosaic.version = 14 : i64} {
  func.func @_mlp2_body(%arg0: i32, %arg1: memref<64x8192xbf16, #tpu.memory_space<vmem>>, %arg2: memref<64x16x128xf32, #tpu.memory_space<vmem>>, %arg3: memref<64x80xf32, #tpu.memory_space<vmem>>, %arg4: memref<64x1xf32, #tpu.memory_space<vmem>>, %arg5: memref<1x1xf32, #tpu.memory_space<vmem>>, %arg6: memref<8x8192xf32, #tpu.memory_space<vmem>>) attributes {dimension_semantics = [#tpu.dimension_semantics<arbitrary>], iteration_bounds = array<i64: 2>, scalar_prefetch = 0 : i64, scratch_operands = 0 : i64, tpu.core_type = #tpu.core_type<tc>, window_params = [{transform_indices = @transform_0, window_bounds = array<i64: 64, 8192>}, {transform_indices = @transform_1, window_bounds = array<i64: 64, 16, 128>}, {pipeline_mode = #tpu.pipeline_mode<synchronous>, transform_indices = @transform_2, window_bounds = array<i64: 64, 80>}, {pipeline_mode = #tpu.pipeline_mode<synchronous>, transform_indices = @transform_3, window_bounds = array<i64: 64, 1>}, {pipeline_mode = #tpu.pipeline_mode<synchronous>, transform_indices = @transform_4, window_bounds = array<i64: 1, 1>}, {transform_indices = @transform_5, window_bounds = array<i64: 8, 8192>}]} {
    %get3A = arith.constant 0 : index
    %get3A_0 = arith.constant 0 : index
    %get3A_1 = vector.load %arg3[%get3A, %get3A_0] : memref<64x80xf32, #tpu.memory_space<vmem>>, vector<64x16xf32>
    %get3A_2 = arith.constant 0 : index
    %get3A_3 = arith.constant 0 : index
    %get3A_4 = arith.constant 0 : index
    %get3A_5 = vector.load %arg2[%get3A_2, %get3A_3, %get3A_4] : memref<64x16x128xf32, #tpu.memory_space<vmem>>, vector<64x16x128xf32>
    %slice3A = vector.extract_strided_slice %get3A_5 {offsets = [0, 0, 0], sizes = [1, 16, 128], strides = [1, 1, 1]} : vector<64x16x128xf32> to vector<1x16x128xf32>
    %squeeze3A = vector.shape_cast %slice3A : vector<1x16x128xf32> to vector<16x128xf32>
    %dot_general3A = arith.constant dense<0.000000e+00> : vector<64x128xf32>
    %dot_general3A_6 = tpu.matmul %get3A_1, %squeeze3A, %dot_general3A {dimension_numbers = #tpu.dot_dimension_numbers<[1], [0], [0], [1], [0, 0, 1, 1], [], []>, transpose_lhs_hint = false} : vector<64x16xf32>, vector<16x128xf32>, vector<64x128xf32> -> vector<64x128xf32>
    %slice3A_7 = vector.extract_strided_slice %get3A_5 {offsets = [1, 0, 0], sizes = [1, 16, 128], strides = [1, 1, 1]} : vector<64x16x128xf32> to vector<1x16x128xf32>
    %squeeze3A_8 = vector.shape_cast %slice3A_7 : vector<1x16x128xf32> to vector<16x128xf32>
    %dot_general3A_9 = arith.constant dense<0.000000e+00> : vector<64x128xf32>
    %dot_general3A_10 = tpu.matmul %get3A_1, %squeeze3A_8, %dot_general3A_9 {dimension_numbers = #tpu.dot_dimension_numbers<[1], [0], [0], [1], [0, 0, 1, 1], [], []>, transpose_lhs_hint = false} : vector<64x16xf32>, vector<16x128xf32>, vector<64x128xf32> -> vector<64x128xf32>
    %slice3A_11 = vector.extract_strided_slice %get3A_5 {offsets = [2, 0, 0], sizes = [1, 16, 128], strides = [1, 1, 1]} : vector<64x16x128xf32> to vector<1x16x128xf32>
    %squeeze3A_12 = vector.shape_cast %slice3A_11 : vector<1x16x128xf32> to vector<16x128xf32>
    %dot_general3A_13 = arith.constant dense<0.000000e+00> : vector<64x128xf32>
    %dot_general3A_14 = tpu.matmul %get3A_1, %squeeze3A_12, %dot_general3A_13 {dimension_numbers = #tpu.dot_dimension_numbers<[1], [0], [0], [1], [0, 0, 1, 1], [], []>, transpose_lhs_hint = false} : vector<64x16xf32>, vector<16x128xf32>, vector<64x128xf32> -> vector<64x128xf32>
    %slice3A_15 = vector.extract_strided_slice %get3A_5 {offsets = [3, 0, 0], sizes = [1, 16, 128], strides = [1, 1, 1]} : vector<64x16x128xf32> to vector<1x16x128xf32>
    %squeeze3A_16 = vector.shape_cast %slice3A_15 : vector<1x16x128xf32> to vector<16x128xf32>
    %dot_general3A_17 = arith.constant dense<0.000000e+00> : vector<64x128xf32>
    %dot_general3A_18 = tpu.matmul %get3A_1, %squeeze3A_16, %dot_general3A_17 {dimension_numbers = #tpu.dot_dimension_numbers<[1], [0], [0], [1], [0, 0, 1, 1], [], []>, transpose_lhs_hint = false} : vector<64x16xf32>, vector<16x128xf32>, vector<64x128xf32> -> vector<64x128xf32>
    %slice3A_19 = vector.extract_strided_slice %get3A_5 {offsets = [4, 0, 0], sizes = [1, 16, 128], strides = [1, 1, 1]} : vector<64x16x128xf32> to vector<1x16x128xf32>
    %squeeze3A_20 = vector.shape_cast %slice3A_19 : vector<1x16x128xf32> to vector<16x128xf32>
    %dot_general3A_21 = arith.constant dense<0.000000e+00> : vector<64x128xf32>
    %dot_general3A_22 = tpu.matmul %get3A_1, %squeeze3A_20, %dot_general3A_21 {dimension_numbers = #tpu.dot_dimension_numbers<[1], [0], [0], [1], [0, 0, 1, 1], [], []>, transpose_lhs_hint = false} : vector<64x16xf32>, vector<16x128xf32>, vector<64x128xf32> -> vector<64x128xf32>
    %slice3A_23 = vector.extract_strided_slice %get3A_5 {offsets = [5, 0, 0], sizes = [1, 16, 128], strides = [1, 1, 1]} : vector<64x16x128xf32> to vector<1x16x128xf32>
    %squeeze3A_24 = vector.shape_cast %slice3A_23 : vector<1x16x128xf32> to vector<16x128xf32>
    %dot_general3A_25 = arith.constant dense<0.000000e+00> : vector<64x128xf32>
    %dot_general3A_26 = tpu.matmul %get3A_1, %squeeze3A_24, %dot_general3A_25 {dimension_numbers = #tpu.dot_dimension_numbers<[1], [0], [0], [1], [0, 0, 1, 1], [], []>, transpose_lhs_hint = false} : vector<64x16xf32>, vector<16x128xf32>, vector<64x128xf32> -> vector<64x128xf32>
    %slice3A_27 = vector.extract_strided_slice %get3A_5 {offsets = [6, 0, 0], sizes = [1, 16, 128], strides = [1, 1, 1]} : vector<64x16x128xf32> to vector<1x16x128xf32>
    %squeeze3A_28 = vector.shape_cast %slice3A_27 : vector<1x16x128xf32> to vector<16x128xf32>
    %dot_general3A_29 = arith.constant dense<0.000000e+00> : vector<64x128xf32>
    %dot_general3A_30 = tpu.matmul %get3A_1, %squeeze3A_28, %dot_general3A_29 {dimension_numbers = #tpu.dot_dimension_numbers<[1], [0], [0], [1], [0, 0, 1, 1], [], []>, transpose_lhs_hint = false} : vector<64x16xf32>, vector<16x128xf32>, vector<64x128xf32> -> vector<64x128xf32>
    %slice3A_31 = vector.extract_strided_slice %get3A_5 {offsets = [7, 0, 0], sizes = [1, 16, 128], strides = [1, 1, 1]} : vector<64x16x128xf32> to vector<1x16x128xf32>
    %squeeze3A_32 = vector.shape_cast %slice3A_31 : vector<1x16x128xf32> to vector<16x128xf32>
    %dot_general3A_33 = arith.constant dense<0.000000e+00> : vector<64x128xf32>
    %dot_general3A_34 = tpu.matmul %get3A_1, %squeeze3A_32, %dot_general3A_33 {dimension_numbers = #tpu.dot_dimension_numbers<[1], [0], [0], [1], [0, 0, 1, 1], [], []>, transpose_lhs_hint = false} : vector<64x16xf32>, vector<16x128xf32>, vector<64x128xf32> -> vector<64x128xf32>
    %slice3A_35 = vector.extract_strided_slice %get3A_5 {offsets = [8, 0, 0], sizes = [1, 16, 128], strides = [1, 1, 1]} : vector<64x16x128xf32> to vector<1x16x128xf32>
    %squeeze3A_36 = vector.shape_cast %slice3A_35 : vector<1x16x128xf32> to vector<16x128xf32>
    %dot_general3A_37 = arith.constant dense<0.000000e+00> : vector<64x128xf32>
    %dot_general3A_38 = tpu.matmul %get3A_1, %squeeze3A_36, %dot_general3A_37 {dimension_numbers = #tpu.dot_dimension_numbers<[1], [0], [0], [1], [0, 0, 1, 1], [], []>, transpose_lhs_hint = false} : vector<64x16xf32>, vector<16x128xf32>, vector<64x128xf32> -> vector<64x128xf32>
    %slice3A_39 = vector.extract_strided_slice %get3A_5 {offsets = [9, 0, 0], sizes = [1, 16, 128], strides = [1, 1, 1]} : vector<64x16x128xf32> to vector<1x16x128xf32>
    %squeeze3A_40 = vector.shape_cast %slice3A_39 : vector<1x16x128xf32> to vector<16x128xf32>
    %dot_general3A_41 = arith.constant dense<0.000000e+00> : vector<64x128xf32>
    %dot_general3A_42 = tpu.matmul %get3A_1, %squeeze3A_40, %dot_general3A_41 {dimension_numbers = #tpu.dot_dimension_numbers<[1], [0], [0], [1], [0, 0, 1, 1], [], []>, transpose_lhs_hint = false} : vector<64x16xf32>, vector<16x128xf32>, vector<64x128xf32> -> vector<64x128xf32>
    %slice3A_43 = vector.extract_strided_slice %get3A_5 {offsets = [10, 0, 0], sizes = [1, 16, 128], strides = [1, 1, 1]} : vector<64x16x128xf32> to vector<1x16x128xf32>
    %squeeze3A_44 = vector.shape_cast %slice3A_43 : vector<1x16x128xf32> to vector<16x128xf32>
    %dot_general3A_45 = arith.constant dense<0.000000e+00> : vector<64x128xf32>
    %dot_general3A_46 = tpu.matmul %get3A_1, %squeeze3A_44, %dot_general3A_45 {dimension_numbers = #tpu.dot_dimension_numbers<[1], [0], [0], [1], [0, 0, 1, 1], [], []>, transpose_lhs_hint = false} : vector<64x16xf32>, vector<16x128xf32>, vector<64x128xf32> -> vector<64x128xf32>
    %slice3A_47 = vector.extract_strided_slice %get3A_5 {offsets = [11, 0, 0], sizes = [1, 16, 128], strides = [1, 1, 1]} : vector<64x16x128xf32> to vector<1x16x128xf32>
    %squeeze3A_48 = vector.shape_cast %slice3A_47 : vector<1x16x128xf32> to vector<16x128xf32>
    %dot_general3A_49 = arith.constant dense<0.000000e+00> : vector<64x128xf32>
    %dot_general3A_50 = tpu.matmul %get3A_1, %squeeze3A_48, %dot_general3A_49 {dimension_numbers = #tpu.dot_dimension_numbers<[1], [0], [0], [1], [0, 0, 1, 1], [], []>, transpose_lhs_hint = false} : vector<64x16xf32>, vector<16x128xf32>, vector<64x128xf32> -> vector<64x128xf32>
    %slice3A_51 = vector.extract_strided_slice %get3A_5 {offsets = [12, 0, 0], sizes = [1, 16, 128], strides = [1, 1, 1]} : vector<64x16x128xf32> to vector<1x16x128xf32>
    %squeeze3A_52 = vector.shape_cast %slice3A_51 : vector<1x16x128xf32> to vector<16x128xf32>
    %dot_general3A_53 = arith.constant dense<0.000000e+00> : vector<64x128xf32>
    %dot_general3A_54 = tpu.matmul %get3A_1, %squeeze3A_52, %dot_general3A_53 {dimension_numbers = #tpu.dot_dimension_numbers<[1], [0], [0], [1], [0, 0, 1, 1], [], []>, transpose_lhs_hint = false} : vector<64x16xf32>, vector<16x128xf32>, vector<64x128xf32> -> vector<64x128xf32>
    %slice3A_55 = vector.extract_strided_slice %get3A_5 {offsets = [13, 0, 0], sizes = [1, 16, 128], strides = [1, 1, 1]} : vector<64x16x128xf32> to vector<1x16x128xf32>
    %squeeze3A_56 = vector.shape_cast %slice3A_55 : vector<1x16x128xf32> to vector<16x128xf32>
    %dot_general3A_57 = arith.constant dense<0.000000e+00> : vector<64x128xf32>
    %dot_general3A_58 = tpu.matmul %get3A_1, %squeeze3A_56, %dot_general3A_57 {dimension_numbers = #tpu.dot_dimension_numbers<[1], [0], [0], [1], [0, 0, 1, 1], [], []>, transpose_lhs_hint = false} : vector<64x16xf32>, vector<16x128xf32>, vector<64x128xf32> -> vector<64x128xf32>
    %slice3A_59 = vector.extract_strided_slice %get3A_5 {offsets = [14, 0, 0], sizes = [1, 16, 128], strides = [1, 1, 1]} : vector<64x16x128xf32> to vector<1x16x128xf32>
    %squeeze3A_60 = vector.shape_cast %slice3A_59 : vector<1x16x128xf32> to vector<16x128xf32>
    %dot_general3A_61 = arith.constant dense<0.000000e+00> : vector<64x128xf32>
    %dot_general3A_62 = tpu.matmul %get3A_1, %squeeze3A_60, %dot_general3A_61 {dimension_numbers = #tpu.dot_dimension_numbers<[1], [0], [0], [1], [0, 0, 1, 1], [], []>, transpose_lhs_hint = false} : vector<64x16xf32>, vector<16x128xf32>, vector<64x128xf32> -> vector<64x128xf32>
    %slice3A_63 = vector.extract_strided_slice %get3A_5 {offsets = [15, 0, 0], sizes = [1, 16, 128], strides = [1, 1, 1]} : vector<64x16x128xf32> to vector<1x16x128xf32>
    %squeeze3A_64 = vector.shape_cast %slice3A_63 : vector<1x16x128xf32> to vector<16x128xf32>
    %dot_general3A_65 = arith.constant dense<0.000000e+00> : vector<64x128xf32>
    %dot_general3A_66 = tpu.matmul %get3A_1, %squeeze3A_64, %dot_general3A_65 {dimension_numbers = #tpu.dot_dimension_numbers<[1], [0], [0], [1], [0, 0, 1, 1], [], []>, transpose_lhs_hint = false} : vector<64x16xf32>, vector<16x128xf32>, vector<64x128xf32> -> vector<64x128xf32>
    %slice3A_67 = vector.extract_strided_slice %get3A_5 {offsets = [16, 0, 0], sizes = [1, 16, 128], strides = [1, 1, 1]} : vector<64x16x128xf32> to vector<1x16x128xf32>
    %squeeze3A_68 = vector.shape_cast %slice3A_67 : vector<1x16x128xf32> to vector<16x128xf32>
    %dot_general3A_69 = arith.constant dense<0.000000e+00> : vector<64x128xf32>
    %dot_general3A_70 = tpu.matmul %get3A_1, %squeeze3A_68, %dot_general3A_69 {dimension_numbers = #tpu.dot_dimension_numbers<[1], [0], [0], [1], [0, 0, 1, 1], [], []>, transpose_lhs_hint = false} : vector<64x16xf32>, vector<16x128xf32>, vector<64x128xf32> -> vector<64x128xf32>
    %slice3A_71 = vector.extract_strided_slice %get3A_5 {offsets = [17, 0, 0], sizes = [1, 16, 128], strides = [1, 1, 1]} : vector<64x16x128xf32> to vector<1x16x128xf32>
    %squeeze3A_72 = vector.shape_cast %slice3A_71 : vector<1x16x128xf32> to vector<16x128xf32>
    %dot_general3A_73 = arith.constant dense<0.000000e+00> : vector<64x128xf32>
    %dot_general3A_74 = tpu.matmul %get3A_1, %squeeze3A_72, %dot_general3A_73 {dimension_numbers = #tpu.dot_dimension_numbers<[1], [0], [0], [1], [0, 0, 1, 1], [], []>, transpose_lhs_hint = false} : vector<64x16xf32>, vector<16x128xf32>, vector<64x128xf32> -> vector<64x128xf32>
    %slice3A_75 = vector.extract_strided_slice %get3A_5 {offsets = [18, 0, 0], sizes = [1, 16, 128], strides = [1, 1, 1]} : vector<64x16x128xf32> to vector<1x16x128xf32>
    %squeeze3A_76 = vector.shape_cast %slice3A_75 : vector<1x16x128xf32> to vector<16x128xf32>
    %dot_general3A_77 = arith.constant dense<0.000000e+00> : vector<64x128xf32>
    %dot_general3A_78 = tpu.matmul %get3A_1, %squeeze3A_76, %dot_general3A_77 {dimension_numbers = #tpu.dot_dimension_numbers<[1], [0], [0], [1], [0, 0, 1, 1], [], []>, transpose_lhs_hint = false} : vector<64x16xf32>, vector<16x128xf32>, vector<64x128xf32> -> vector<64x128xf32>
    %slice3A_79 = vector.extract_strided_slice %get3A_5 {offsets = [19, 0, 0], sizes = [1, 16, 128], strides = [1, 1, 1]} : vector<64x16x128xf32> to vector<1x16x128xf32>
    %squeeze3A_80 = vector.shape_cast %slice3A_79 : vector<1x16x128xf32> to vector<16x128xf32>
    %dot_general3A_81 = arith.constant dense<0.000000e+00> : vector<64x128xf32>
    %dot_general3A_82 = tpu.matmul %get3A_1, %squeeze3A_80, %dot_general3A_81 {dimension_numbers = #tpu.dot_dimension_numbers<[1], [0], [0], [1], [0, 0, 1, 1], [], []>, transpose_lhs_hint = false} : vector<64x16xf32>, vector<16x128xf32>, vector<64x128xf32> -> vector<64x128xf32>
    %slice3A_83 = vector.extract_strided_slice %get3A_5 {offsets = [20, 0, 0], sizes = [1, 16, 128], strides = [1, 1, 1]} : vector<64x16x128xf32> to vector<1x16x128xf32>
    %squeeze3A_84 = vector.shape_cast %slice3A_83 : vector<1x16x128xf32> to vector<16x128xf32>
    %dot_general3A_85 = arith.constant dense<0.000000e+00> : vector<64x128xf32>
    %dot_general3A_86 = tpu.matmul %get3A_1, %squeeze3A_84, %dot_general3A_85 {dimension_numbers = #tpu.dot_dimension_numbers<[1], [0], [0], [1], [0, 0, 1, 1], [], []>, transpose_lhs_hint = false} : vector<64x16xf32>, vector<16x128xf32>, vector<64x128xf32> -> vector<64x128xf32>
    %slice3A_87 = vector.extract_strided_slice %get3A_5 {offsets = [21, 0, 0], sizes = [1, 16, 128], strides = [1, 1, 1]} : vector<64x16x128xf32> to vector<1x16x128xf32>
    %squeeze3A_88 = vector.shape_cast %slice3A_87 : vector<1x16x128xf32> to vector<16x128xf32>
    %dot_general3A_89 = arith.constant dense<0.000000e+00> : vector<64x128xf32>
    %dot_general3A_90 = tpu.matmul %get3A_1, %squeeze3A_88, %dot_general3A_89 {dimension_numbers = #tpu.dot_dimension_numbers<[1], [0], [0], [1], [0, 0, 1, 1], [], []>, transpose_lhs_hint = false} : vector<64x16xf32>, vector<16x128xf32>, vector<64x128xf32> -> vector<64x128xf32>
    %slice3A_91 = vector.extract_strided_slice %get3A_5 {offsets = [22, 0, 0], sizes = [1, 16, 128], strides = [1, 1, 1]} : vector<64x16x128xf32> to vector<1x16x128xf32>
    %squeeze3A_92 = vector.shape_cast %slice3A_91 : vector<1x16x128xf32> to vector<16x128xf32>
    %dot_general3A_93 = arith.constant dense<0.000000e+00> : vector<64x128xf32>
    %dot_general3A_94 = tpu.matmul %get3A_1, %squeeze3A_92, %dot_general3A_93 {dimension_numbers = #tpu.dot_dimension_numbers<[1], [0], [0], [1], [0, 0, 1, 1], [], []>, transpose_lhs_hint = false} : vector<64x16xf32>, vector<16x128xf32>, vector<64x128xf32> -> vector<64x128xf32>
    %slice3A_95 = vector.extract_strided_slice %get3A_5 {offsets = [23, 0, 0], sizes = [1, 16, 128], strides = [1, 1, 1]} : vector<64x16x128xf32> to vector<1x16x128xf32>
    %squeeze3A_96 = vector.shape_cast %slice3A_95 : vector<1x16x128xf32> to vector<16x128xf32>
    %dot_general3A_97 = arith.constant dense<0.000000e+00> : vector<64x128xf32>
    %dot_general3A_98 = tpu.matmul %get3A_1, %squeeze3A_96, %dot_general3A_97 {dimension_numbers = #tpu.dot_dimension_numbers<[1], [0], [0], [1], [0, 0, 1, 1], [], []>, transpose_lhs_hint = false} : vector<64x16xf32>, vector<16x128xf32>, vector<64x128xf32> -> vector<64x128xf32>
    %slice3A_99 = vector.extract_strided_slice %get3A_5 {offsets = [24, 0, 0], sizes = [1, 16, 128], strides = [1, 1, 1]} : vector<64x16x128xf32> to vector<1x16x128xf32>
    %squeeze3A_100 = vector.shape_cast %slice3A_99 : vector<1x16x128xf32> to vector<16x128xf32>
    %dot_general3A_101 = arith.constant dense<0.000000e+00> : vector<64x128xf32>
    %dot_general3A_102 = tpu.matmul %get3A_1, %squeeze3A_100, %dot_general3A_101 {dimension_numbers = #tpu.dot_dimension_numbers<[1], [0], [0], [1], [0, 0, 1, 1], [], []>, transpose_lhs_hint = false} : vector<64x16xf32>, vector<16x128xf32>, vector<64x128xf32> -> vector<64x128xf32>
    %slice3A_103 = vector.extract_strided_slice %get3A_5 {offsets = [25, 0, 0], sizes = [1, 16, 128], strides = [1, 1, 1]} : vector<64x16x128xf32> to vector<1x16x128xf32>
    %squeeze3A_104 = vector.shape_cast %slice3A_103 : vector<1x16x128xf32> to vector<16x128xf32>
    %dot_general3A_105 = arith.constant dense<0.000000e+00> : vector<64x128xf32>
    %dot_general3A_106 = tpu.matmul %get3A_1, %squeeze3A_104, %dot_general3A_105 {dimension_numbers = #tpu.dot_dimension_numbers<[1], [0], [0], [1], [0, 0, 1, 1], [], []>, transpose_lhs_hint = false} : vector<64x16xf32>, vector<16x128xf32>, vector<64x128xf32> -> vector<64x128xf32>
    %slice3A_107 = vector.extract_strided_slice %get3A_5 {offsets = [26, 0, 0], sizes = [1, 16, 128], strides = [1, 1, 1]} : vector<64x16x128xf32> to vector<1x16x128xf32>
    %squeeze3A_108 = vector.shape_cast %slice3A_107 : vector<1x16x128xf32> to vector<16x128xf32>
    %dot_general3A_109 = arith.constant dense<0.000000e+00> : vector<64x128xf32>
    %dot_general3A_110 = tpu.matmul %get3A_1, %squeeze3A_108, %dot_general3A_109 {dimension_numbers = #tpu.dot_dimension_numbers<[1], [0], [0], [1], [0, 0, 1, 1], [], []>, transpose_lhs_hint = false} : vector<64x16xf32>, vector<16x128xf32>, vector<64x128xf32> -> vector<64x128xf32>
    %slice3A_111 = vector.extract_strided_slice %get3A_5 {offsets = [27, 0, 0], sizes = [1, 16, 128], strides = [1, 1, 1]} : vector<64x16x128xf32> to vector<1x16x128xf32>
    %squeeze3A_112 = vector.shape_cast %slice3A_111 : vector<1x16x128xf32> to vector<16x128xf32>
    %dot_general3A_113 = arith.constant dense<0.000000e+00> : vector<64x128xf32>
    %dot_general3A_114 = tpu.matmul %get3A_1, %squeeze3A_112, %dot_general3A_113 {dimension_numbers = #tpu.dot_dimension_numbers<[1], [0], [0], [1], [0, 0, 1, 1], [], []>, transpose_lhs_hint = false} : vector<64x16xf32>, vector<16x128xf32>, vector<64x128xf32> -> vector<64x128xf32>
    %slice3A_115 = vector.extract_strided_slice %get3A_5 {offsets = [28, 0, 0], sizes = [1, 16, 128], strides = [1, 1, 1]} : vector<64x16x128xf32> to vector<1x16x128xf32>
    %squeeze3A_116 = vector.shape_cast %slice3A_115 : vector<1x16x128xf32> to vector<16x128xf32>
    %dot_general3A_117 = arith.constant dense<0.000000e+00> : vector<64x128xf32>
    %dot_general3A_118 = tpu.matmul %get3A_1, %squeeze3A_116, %dot_general3A_117 {dimension_numbers = #tpu.dot_dimension_numbers<[1], [0], [0], [1], [0, 0, 1, 1], [], []>, transpose_lhs_hint = false} : vector<64x16xf32>, vector<16x128xf32>, vector<64x128xf32> -> vector<64x128xf32>
    %slice3A_119 = vector.extract_strided_slice %get3A_5 {offsets = [29, 0, 0], sizes = [1, 16, 128], strides = [1, 1, 1]} : vector<64x16x128xf32> to vector<1x16x128xf32>
    %squeeze3A_120 = vector.shape_cast %slice3A_119 : vector<1x16x128xf32> to vector<16x128xf32>
    %dot_general3A_121 = arith.constant dense<0.000000e+00> : vector<64x128xf32>
    %dot_general3A_122 = tpu.matmul %get3A_1, %squeeze3A_120, %dot_general3A_121 {dimension_numbers = #tpu.dot_dimension_numbers<[1], [0], [0], [1], [0, 0, 1, 1], [], []>, transpose_lhs_hint = false} : vector<64x16xf32>, vector<16x128xf32>, vector<64x128xf32> -> vector<64x128xf32>
    %slice3A_123 = vector.extract_strided_slice %get3A_5 {offsets = [30, 0, 0], sizes = [1, 16, 128], strides = [1, 1, 1]} : vector<64x16x128xf32> to vector<1x16x128xf32>
    %squeeze3A_124 = vector.shape_cast %slice3A_123 : vector<1x16x128xf32> to vector<16x128xf32>
    %dot_general3A_125 = arith.constant dense<0.000000e+00> : vector<64x128xf32>
    %dot_general3A_126 = tpu.matmul %get3A_1, %squeeze3A_124, %dot_general3A_125 {dimension_numbers = #tpu.dot_dimension_numbers<[1], [0], [0], [1], [0, 0, 1, 1], [], []>, transpose_lhs_hint = false} : vector<64x16xf32>, vector<16x128xf32>, vector<64x128xf32> -> vector<64x128xf32>
    %slice3A_127 = vector.extract_strided_slice %get3A_5 {offsets = [31, 0, 0], sizes = [1, 16, 128], strides = [1, 1, 1]} : vector<64x16x128xf32> to vector<1x16x128xf32>
    %squeeze3A_128 = vector.shape_cast %slice3A_127 : vector<1x16x128xf32> to vector<16x128xf32>
    %dot_general3A_129 = arith.constant dense<0.000000e+00> : vector<64x128xf32>
    %dot_general3A_130 = tpu.matmul %get3A_1, %squeeze3A_128, %dot_general3A_129 {dimension_numbers = #tpu.dot_dimension_numbers<[1], [0], [0], [1], [0, 0, 1, 1], [], []>, transpose_lhs_hint = false} : vector<64x16xf32>, vector<16x128xf32>, vector<64x128xf32> -> vector<64x128xf32>
    %slice3A_131 = vector.extract_strided_slice %get3A_5 {offsets = [32, 0, 0], sizes = [1, 16, 128], strides = [1, 1, 1]} : vector<64x16x128xf32> to vector<1x16x128xf32>
    %squeeze3A_132 = vector.shape_cast %slice3A_131 : vector<1x16x128xf32> to vector<16x128xf32>
    %dot_general3A_133 = arith.constant dense<0.000000e+00> : vector<64x128xf32>
    %dot_general3A_134 = tpu.matmul %get3A_1, %squeeze3A_132, %dot_general3A_133 {dimension_numbers = #tpu.dot_dimension_numbers<[1], [0], [0], [1], [0, 0, 1, 1], [], []>, transpose_lhs_hint = false} : vector<64x16xf32>, vector<16x128xf32>, vector<64x128xf32> -> vector<64x128xf32>
    %slice3A_135 = vector.extract_strided_slice %get3A_5 {offsets = [33, 0, 0], sizes = [1, 16, 128], strides = [1, 1, 1]} : vector<64x16x128xf32> to vector<1x16x128xf32>
    %squeeze3A_136 = vector.shape_cast %slice3A_135 : vector<1x16x128xf32> to vector<16x128xf32>
    %dot_general3A_137 = arith.constant dense<0.000000e+00> : vector<64x128xf32>
    %dot_general3A_138 = tpu.matmul %get3A_1, %squeeze3A_136, %dot_general3A_137 {dimension_numbers = #tpu.dot_dimension_numbers<[1], [0], [0], [1], [0, 0, 1, 1], [], []>, transpose_lhs_hint = false} : vector<64x16xf32>, vector<16x128xf32>, vector<64x128xf32> -> vector<64x128xf32>
    %slice3A_139 = vector.extract_strided_slice %get3A_5 {offsets = [34, 0, 0], sizes = [1, 16, 128], strides = [1, 1, 1]} : vector<64x16x128xf32> to vector<1x16x128xf32>
    %squeeze3A_140 = vector.shape_cast %slice3A_139 : vector<1x16x128xf32> to vector<16x128xf32>
    %dot_general3A_141 = arith.constant dense<0.000000e+00> : vector<64x128xf32>
    %dot_general3A_142 = tpu.matmul %get3A_1, %squeeze3A_140, %dot_general3A_141 {dimension_numbers = #tpu.dot_dimension_numbers<[1], [0], [0], [1], [0, 0, 1, 1], [], []>, transpose_lhs_hint = false} : vector<64x16xf32>, vector<16x128xf32>, vector<64x128xf32> -> vector<64x128xf32>
    %slice3A_143 = vector.extract_strided_slice %get3A_5 {offsets = [35, 0, 0], sizes = [1, 16, 128], strides = [1, 1, 1]} : vector<64x16x128xf32> to vector<1x16x128xf32>
    %squeeze3A_144 = vector.shape_cast %slice3A_143 : vector<1x16x128xf32> to vector<16x128xf32>
    %dot_general3A_145 = arith.constant dense<0.000000e+00> : vector<64x128xf32>
    %dot_general3A_146 = tpu.matmul %get3A_1, %squeeze3A_144, %dot_general3A_145 {dimension_numbers = #tpu.dot_dimension_numbers<[1], [0], [0], [1], [0, 0, 1, 1], [], []>, transpose_lhs_hint = false} : vector<64x16xf32>, vector<16x128xf32>, vector<64x128xf32> -> vector<64x128xf32>
    %slice3A_147 = vector.extract_strided_slice %get3A_5 {offsets = [36, 0, 0], sizes = [1, 16, 128], strides = [1, 1, 1]} : vector<64x16x128xf32> to vector<1x16x128xf32>
    %squeeze3A_148 = vector.shape_cast %slice3A_147 : vector<1x16x128xf32> to vector<16x128xf32>
    %dot_general3A_149 = arith.constant dense<0.000000e+00> : vector<64x128xf32>
    %dot_general3A_150 = tpu.matmul %get3A_1, %squeeze3A_148, %dot_general3A_149 {dimension_numbers = #tpu.dot_dimension_numbers<[1], [0], [0], [1], [0, 0, 1, 1], [], []>, transpose_lhs_hint = false} : vector<64x16xf32>, vector<16x128xf32>, vector<64x128xf32> -> vector<64x128xf32>
    %slice3A_151 = vector.extract_strided_slice %get3A_5 {offsets = [37, 0, 0], sizes = [1, 16, 128], strides = [1, 1, 1]} : vector<64x16x128xf32> to vector<1x16x128xf32>
    %squeeze3A_152 = vector.shape_cast %slice3A_151 : vector<1x16x128xf32> to vector<16x128xf32>
    %dot_general3A_153 = arith.constant dense<0.000000e+00> : vector<64x128xf32>
    %dot_general3A_154 = tpu.matmul %get3A_1, %squeeze3A_152, %dot_general3A_153 {dimension_numbers = #tpu.dot_dimension_numbers<[1], [0], [0], [1], [0, 0, 1, 1], [], []>, transpose_lhs_hint = false} : vector<64x16xf32>, vector<16x128xf32>, vector<64x128xf32> -> vector<64x128xf32>
    %slice3A_155 = vector.extract_strided_slice %get3A_5 {offsets = [38, 0, 0], sizes = [1, 16, 128], strides = [1, 1, 1]} : vector<64x16x128xf32> to vector<1x16x128xf32>
    %squeeze3A_156 = vector.shape_cast %slice3A_155 : vector<1x16x128xf32> to vector<16x128xf32>
    %dot_general3A_157 = arith.constant dense<0.000000e+00> : vector<64x128xf32>
    %dot_general3A_158 = tpu.matmul %get3A_1, %squeeze3A_156, %dot_general3A_157 {dimension_numbers = #tpu.dot_dimension_numbers<[1], [0], [0], [1], [0, 0, 1, 1], [], []>, transpose_lhs_hint = false} : vector<64x16xf32>, vector<16x128xf32>, vector<64x128xf32> -> vector<64x128xf32>
    %slice3A_159 = vector.extract_strided_slice %get3A_5 {offsets = [39, 0, 0], sizes = [1, 16, 128], strides = [1, 1, 1]} : vector<64x16x128xf32> to vector<1x16x128xf32>
    %squeeze3A_160 = vector.shape_cast %slice3A_159 : vector<1x16x128xf32> to vector<16x128xf32>
    %dot_general3A_161 = arith.constant dense<0.000000e+00> : vector<64x128xf32>
    %dot_general3A_162 = tpu.matmul %get3A_1, %squeeze3A_160, %dot_general3A_161 {dimension_numbers = #tpu.dot_dimension_numbers<[1], [0], [0], [1], [0, 0, 1, 1], [], []>, transpose_lhs_hint = false} : vector<64x16xf32>, vector<16x128xf32>, vector<64x128xf32> -> vector<64x128xf32>
    %slice3A_163 = vector.extract_strided_slice %get3A_5 {offsets = [40, 0, 0], sizes = [1, 16, 128], strides = [1, 1, 1]} : vector<64x16x128xf32> to vector<1x16x128xf32>
    %squeeze3A_164 = vector.shape_cast %slice3A_163 : vector<1x16x128xf32> to vector<16x128xf32>
    %dot_general3A_165 = arith.constant dense<0.000000e+00> : vector<64x128xf32>
    %dot_general3A_166 = tpu.matmul %get3A_1, %squeeze3A_164, %dot_general3A_165 {dimension_numbers = #tpu.dot_dimension_numbers<[1], [0], [0], [1], [0, 0, 1, 1], [], []>, transpose_lhs_hint = false} : vector<64x16xf32>, vector<16x128xf32>, vector<64x128xf32> -> vector<64x128xf32>
    %slice3A_167 = vector.extract_strided_slice %get3A_5 {offsets = [41, 0, 0], sizes = [1, 16, 128], strides = [1, 1, 1]} : vector<64x16x128xf32> to vector<1x16x128xf32>
    %squeeze3A_168 = vector.shape_cast %slice3A_167 : vector<1x16x128xf32> to vector<16x128xf32>
    %dot_general3A_169 = arith.constant dense<0.000000e+00> : vector<64x128xf32>
    %dot_general3A_170 = tpu.matmul %get3A_1, %squeeze3A_168, %dot_general3A_169 {dimension_numbers = #tpu.dot_dimension_numbers<[1], [0], [0], [1], [0, 0, 1, 1], [], []>, transpose_lhs_hint = false} : vector<64x16xf32>, vector<16x128xf32>, vector<64x128xf32> -> vector<64x128xf32>
    %slice3A_171 = vector.extract_strided_slice %get3A_5 {offsets = [42, 0, 0], sizes = [1, 16, 128], strides = [1, 1, 1]} : vector<64x16x128xf32> to vector<1x16x128xf32>
    %squeeze3A_172 = vector.shape_cast %slice3A_171 : vector<1x16x128xf32> to vector<16x128xf32>
    %dot_general3A_173 = arith.constant dense<0.000000e+00> : vector<64x128xf32>
    %dot_general3A_174 = tpu.matmul %get3A_1, %squeeze3A_172, %dot_general3A_173 {dimension_numbers = #tpu.dot_dimension_numbers<[1], [0], [0], [1], [0, 0, 1, 1], [], []>, transpose_lhs_hint = false} : vector<64x16xf32>, vector<16x128xf32>, vector<64x128xf32> -> vector<64x128xf32>
    %slice3A_175 = vector.extract_strided_slice %get3A_5 {offsets = [43, 0, 0], sizes = [1, 16, 128], strides = [1, 1, 1]} : vector<64x16x128xf32> to vector<1x16x128xf32>
    %squeeze3A_176 = vector.shape_cast %slice3A_175 : vector<1x16x128xf32> to vector<16x128xf32>
    %dot_general3A_177 = arith.constant dense<0.000000e+00> : vector<64x128xf32>
    %dot_general3A_178 = tpu.matmul %get3A_1, %squeeze3A_176, %dot_general3A_177 {dimension_numbers = #tpu.dot_dimension_numbers<[1], [0], [0], [1], [0, 0, 1, 1], [], []>, transpose_lhs_hint = false} : vector<64x16xf32>, vector<16x128xf32>, vector<64x128xf32> -> vector<64x128xf32>
    %slice3A_179 = vector.extract_strided_slice %get3A_5 {offsets = [44, 0, 0], sizes = [1, 16, 128], strides = [1, 1, 1]} : vector<64x16x128xf32> to vector<1x16x128xf32>
    %squeeze3A_180 = vector.shape_cast %slice3A_179 : vector<1x16x128xf32> to vector<16x128xf32>
    %dot_general3A_181 = arith.constant dense<0.000000e+00> : vector<64x128xf32>
    %dot_general3A_182 = tpu.matmul %get3A_1, %squeeze3A_180, %dot_general3A_181 {dimension_numbers = #tpu.dot_dimension_numbers<[1], [0], [0], [1], [0, 0, 1, 1], [], []>, transpose_lhs_hint = false} : vector<64x16xf32>, vector<16x128xf32>, vector<64x128xf32> -> vector<64x128xf32>
    %slice3A_183 = vector.extract_strided_slice %get3A_5 {offsets = [45, 0, 0], sizes = [1, 16, 128], strides = [1, 1, 1]} : vector<64x16x128xf32> to vector<1x16x128xf32>
    %squeeze3A_184 = vector.shape_cast %slice3A_183 : vector<1x16x128xf32> to vector<16x128xf32>
    %dot_general3A_185 = arith.constant dense<0.000000e+00> : vector<64x128xf32>
    %dot_general3A_186 = tpu.matmul %get3A_1, %squeeze3A_184, %dot_general3A_185 {dimension_numbers = #tpu.dot_dimension_numbers<[1], [0], [0], [1], [0, 0, 1, 1], [], []>, transpose_lhs_hint = false} : vector<64x16xf32>, vector<16x128xf32>, vector<64x128xf32> -> vector<64x128xf32>
    %slice3A_187 = vector.extract_strided_slice %get3A_5 {offsets = [46, 0, 0], sizes = [1, 16, 128], strides = [1, 1, 1]} : vector<64x16x128xf32> to vector<1x16x128xf32>
    %squeeze3A_188 = vector.shape_cast %slice3A_187 : vector<1x16x128xf32> to vector<16x128xf32>
    %dot_general3A_189 = arith.constant dense<0.000000e+00> : vector<64x128xf32>
    %dot_general3A_190 = tpu.matmul %get3A_1, %squeeze3A_188, %dot_general3A_189 {dimension_numbers = #tpu.dot_dimension_numbers<[1], [0], [0], [1], [0, 0, 1, 1], [], []>, transpose_lhs_hint = false} : vector<64x16xf32>, vector<16x128xf32>, vector<64x128xf32> -> vector<64x128xf32>
    %slice3A_191 = vector.extract_strided_slice %get3A_5 {offsets = [47, 0, 0], sizes = [1, 16, 128], strides = [1, 1, 1]} : vector<64x16x128xf32> to vector<1x16x128xf32>
    %squeeze3A_192 = vector.shape_cast %slice3A_191 : vector<1x16x128xf32> to vector<16x128xf32>
    %dot_general3A_193 = arith.constant dense<0.000000e+00> : vector<64x128xf32>
    %dot_general3A_194 = tpu.matmul %get3A_1, %squeeze3A_192, %dot_general3A_193 {dimension_numbers = #tpu.dot_dimension_numbers<[1], [0], [0], [1], [0, 0, 1, 1], [], []>, transpose_lhs_hint = false} : vector<64x16xf32>, vector<16x128xf32>, vector<64x128xf32> -> vector<64x128xf32>
    %slice3A_195 = vector.extract_strided_slice %get3A_5 {offsets = [48, 0, 0], sizes = [1, 16, 128], strides = [1, 1, 1]} : vector<64x16x128xf32> to vector<1x16x128xf32>
    %squeeze3A_196 = vector.shape_cast %slice3A_195 : vector<1x16x128xf32> to vector<16x128xf32>
    %dot_general3A_197 = arith.constant dense<0.000000e+00> : vector<64x128xf32>
    %dot_general3A_198 = tpu.matmul %get3A_1, %squeeze3A_196, %dot_general3A_197 {dimension_numbers = #tpu.dot_dimension_numbers<[1], [0], [0], [1], [0, 0, 1, 1], [], []>, transpose_lhs_hint = false} : vector<64x16xf32>, vector<16x128xf32>, vector<64x128xf32> -> vector<64x128xf32>
    %slice3A_199 = vector.extract_strided_slice %get3A_5 {offsets = [49, 0, 0], sizes = [1, 16, 128], strides = [1, 1, 1]} : vector<64x16x128xf32> to vector<1x16x128xf32>
    %squeeze3A_200 = vector.shape_cast %slice3A_199 : vector<1x16x128xf32> to vector<16x128xf32>
    %dot_general3A_201 = arith.constant dense<0.000000e+00> : vector<64x128xf32>
    %dot_general3A_202 = tpu.matmul %get3A_1, %squeeze3A_200, %dot_general3A_201 {dimension_numbers = #tpu.dot_dimension_numbers<[1], [0], [0], [1], [0, 0, 1, 1], [], []>, transpose_lhs_hint = false} : vector<64x16xf32>, vector<16x128xf32>, vector<64x128xf32> -> vector<64x128xf32>
    %slice3A_203 = vector.extract_strided_slice %get3A_5 {offsets = [50, 0, 0], sizes = [1, 16, 128], strides = [1, 1, 1]} : vector<64x16x128xf32> to vector<1x16x128xf32>
    %squeeze3A_204 = vector.shape_cast %slice3A_203 : vector<1x16x128xf32> to vector<16x128xf32>
    %dot_general3A_205 = arith.constant dense<0.000000e+00> : vector<64x128xf32>
    %dot_general3A_206 = tpu.matmul %get3A_1, %squeeze3A_204, %dot_general3A_205 {dimension_numbers = #tpu.dot_dimension_numbers<[1], [0], [0], [1], [0, 0, 1, 1], [], []>, transpose_lhs_hint = false} : vector<64x16xf32>, vector<16x128xf32>, vector<64x128xf32> -> vector<64x128xf32>
    %slice3A_207 = vector.extract_strided_slice %get3A_5 {offsets = [51, 0, 0], sizes = [1, 16, 128], strides = [1, 1, 1]} : vector<64x16x128xf32> to vector<1x16x128xf32>
    %squeeze3A_208 = vector.shape_cast %slice3A_207 : vector<1x16x128xf32> to vector<16x128xf32>
    %dot_general3A_209 = arith.constant dense<0.000000e+00> : vector<64x128xf32>
    %dot_general3A_210 = tpu.matmul %get3A_1, %squeeze3A_208, %dot_general3A_209 {dimension_numbers = #tpu.dot_dimension_numbers<[1], [0], [0], [1], [0, 0, 1, 1], [], []>, transpose_lhs_hint = false} : vector<64x16xf32>, vector<16x128xf32>, vector<64x128xf32> -> vector<64x128xf32>
    %slice3A_211 = vector.extract_strided_slice %get3A_5 {offsets = [52, 0, 0], sizes = [1, 16, 128], strides = [1, 1, 1]} : vector<64x16x128xf32> to vector<1x16x128xf32>
    %squeeze3A_212 = vector.shape_cast %slice3A_211 : vector<1x16x128xf32> to vector<16x128xf32>
    %dot_general3A_213 = arith.constant dense<0.000000e+00> : vector<64x128xf32>
    %dot_general3A_214 = tpu.matmul %get3A_1, %squeeze3A_212, %dot_general3A_213 {dimension_numbers = #tpu.dot_dimension_numbers<[1], [0], [0], [1], [0, 0, 1, 1], [], []>, transpose_lhs_hint = false} : vector<64x16xf32>, vector<16x128xf32>, vector<64x128xf32> -> vector<64x128xf32>
    %slice3A_215 = vector.extract_strided_slice %get3A_5 {offsets = [53, 0, 0], sizes = [1, 16, 128], strides = [1, 1, 1]} : vector<64x16x128xf32> to vector<1x16x128xf32>
    %squeeze3A_216 = vector.shape_cast %slice3A_215 : vector<1x16x128xf32> to vector<16x128xf32>
    %dot_general3A_217 = arith.constant dense<0.000000e+00> : vector<64x128xf32>
    %dot_general3A_218 = tpu.matmul %get3A_1, %squeeze3A_216, %dot_general3A_217 {dimension_numbers = #tpu.dot_dimension_numbers<[1], [0], [0], [1], [0, 0, 1, 1], [], []>, transpose_lhs_hint = false} : vector<64x16xf32>, vector<16x128xf32>, vector<64x128xf32> -> vector<64x128xf32>
    %slice3A_219 = vector.extract_strided_slice %get3A_5 {offsets = [54, 0, 0], sizes = [1, 16, 128], strides = [1, 1, 1]} : vector<64x16x128xf32> to vector<1x16x128xf32>
    %squeeze3A_220 = vector.shape_cast %slice3A_219 : vector<1x16x128xf32> to vector<16x128xf32>
    %dot_general3A_221 = arith.constant dense<0.000000e+00> : vector<64x128xf32>
    %dot_general3A_222 = tpu.matmul %get3A_1, %squeeze3A_220, %dot_general3A_221 {dimension_numbers = #tpu.dot_dimension_numbers<[1], [0], [0], [1], [0, 0, 1, 1], [], []>, transpose_lhs_hint = false} : vector<64x16xf32>, vector<16x128xf32>, vector<64x128xf32> -> vector<64x128xf32>
    %slice3A_223 = vector.extract_strided_slice %get3A_5 {offsets = [55, 0, 0], sizes = [1, 16, 128], strides = [1, 1, 1]} : vector<64x16x128xf32> to vector<1x16x128xf32>
    %squeeze3A_224 = vector.shape_cast %slice3A_223 : vector<1x16x128xf32> to vector<16x128xf32>
    %dot_general3A_225 = arith.constant dense<0.000000e+00> : vector<64x128xf32>
    %dot_general3A_226 = tpu.matmul %get3A_1, %squeeze3A_224, %dot_general3A_225 {dimension_numbers = #tpu.dot_dimension_numbers<[1], [0], [0], [1], [0, 0, 1, 1], [], []>, transpose_lhs_hint = false} : vector<64x16xf32>, vector<16x128xf32>, vector<64x128xf32> -> vector<64x128xf32>
    %slice3A_227 = vector.extract_strided_slice %get3A_5 {offsets = [56, 0, 0], sizes = [1, 16, 128], strides = [1, 1, 1]} : vector<64x16x128xf32> to vector<1x16x128xf32>
    %squeeze3A_228 = vector.shape_cast %slice3A_227 : vector<1x16x128xf32> to vector<16x128xf32>
    %dot_general3A_229 = arith.constant dense<0.000000e+00> : vector<64x128xf32>
    %dot_general3A_230 = tpu.matmul %get3A_1, %squeeze3A_228, %dot_general3A_229 {dimension_numbers = #tpu.dot_dimension_numbers<[1], [0], [0], [1], [0, 0, 1, 1], [], []>, transpose_lhs_hint = false} : vector<64x16xf32>, vector<16x128xf32>, vector<64x128xf32> -> vector<64x128xf32>
    %slice3A_231 = vector.extract_strided_slice %get3A_5 {offsets = [57, 0, 0], sizes = [1, 16, 128], strides = [1, 1, 1]} : vector<64x16x128xf32> to vector<1x16x128xf32>
    %squeeze3A_232 = vector.shape_cast %slice3A_231 : vector<1x16x128xf32> to vector<16x128xf32>
    %dot_general3A_233 = arith.constant dense<0.000000e+00> : vector<64x128xf32>
    %dot_general3A_234 = tpu.matmul %get3A_1, %squeeze3A_232, %dot_general3A_233 {dimension_numbers = #tpu.dot_dimension_numbers<[1], [0], [0], [1], [0, 0, 1, 1], [], []>, transpose_lhs_hint = false} : vector<64x16xf32>, vector<16x128xf32>, vector<64x128xf32> -> vector<64x128xf32>
    %slice3A_235 = vector.extract_strided_slice %get3A_5 {offsets = [58, 0, 0], sizes = [1, 16, 128], strides = [1, 1, 1]} : vector<64x16x128xf32> to vector<1x16x128xf32>
    %squeeze3A_236 = vector.shape_cast %slice3A_235 : vector<1x16x128xf32> to vector<16x128xf32>
    %dot_general3A_237 = arith.constant dense<0.000000e+00> : vector<64x128xf32>
    %dot_general3A_238 = tpu.matmul %get3A_1, %squeeze3A_236, %dot_general3A_237 {dimension_numbers = #tpu.dot_dimension_numbers<[1], [0], [0], [1], [0, 0, 1, 1], [], []>, transpose_lhs_hint = false} : vector<64x16xf32>, vector<16x128xf32>, vector<64x128xf32> -> vector<64x128xf32>
    %slice3A_239 = vector.extract_strided_slice %get3A_5 {offsets = [59, 0, 0], sizes = [1, 16, 128], strides = [1, 1, 1]} : vector<64x16x128xf32> to vector<1x16x128xf32>
    %squeeze3A_240 = vector.shape_cast %slice3A_239 : vector<1x16x128xf32> to vector<16x128xf32>
    %dot_general3A_241 = arith.constant dense<0.000000e+00> : vector<64x128xf32>
    %dot_general3A_242 = tpu.matmul %get3A_1, %squeeze3A_240, %dot_general3A_241 {dimension_numbers = #tpu.dot_dimension_numbers<[1], [0], [0], [1], [0, 0, 1, 1], [], []>, transpose_lhs_hint = false} : vector<64x16xf32>, vector<16x128xf32>, vector<64x128xf32> -> vector<64x128xf32>
    %slice3A_243 = vector.extract_strided_slice %get3A_5 {offsets = [60, 0, 0], sizes = [1, 16, 128], strides = [1, 1, 1]} : vector<64x16x128xf32> to vector<1x16x128xf32>
    %squeeze3A_244 = vector.shape_cast %slice3A_243 : vector<1x16x128xf32> to vector<16x128xf32>
    %dot_general3A_245 = arith.constant dense<0.000000e+00> : vector<64x128xf32>
    %dot_general3A_246 = tpu.matmul %get3A_1, %squeeze3A_244, %dot_general3A_245 {dimension_numbers = #tpu.dot_dimension_numbers<[1], [0], [0], [1], [0, 0, 1, 1], [], []>, transpose_lhs_hint = false} : vector<64x16xf32>, vector<16x128xf32>, vector<64x128xf32> -> vector<64x128xf32>
    %slice3A_247 = vector.extract_strided_slice %get3A_5 {offsets = [61, 0, 0], sizes = [1, 16, 128], strides = [1, 1, 1]} : vector<64x16x128xf32> to vector<1x16x128xf32>
    %squeeze3A_248 = vector.shape_cast %slice3A_247 : vector<1x16x128xf32> to vector<16x128xf32>
    %dot_general3A_249 = arith.constant dense<0.000000e+00> : vector<64x128xf32>
    %dot_general3A_250 = tpu.matmul %get3A_1, %squeeze3A_248, %dot_general3A_249 {dimension_numbers = #tpu.dot_dimension_numbers<[1], [0], [0], [1], [0, 0, 1, 1], [], []>, transpose_lhs_hint = false} : vector<64x16xf32>, vector<16x128xf32>, vector<64x128xf32> -> vector<64x128xf32>
    %slice3A_251 = vector.extract_strided_slice %get3A_5 {offsets = [62, 0, 0], sizes = [1, 16, 128], strides = [1, 1, 1]} : vector<64x16x128xf32> to vector<1x16x128xf32>
    %squeeze3A_252 = vector.shape_cast %slice3A_251 : vector<1x16x128xf32> to vector<16x128xf32>
    %dot_general3A_253 = arith.constant dense<0.000000e+00> : vector<64x128xf32>
    %dot_general3A_254 = tpu.matmul %get3A_1, %squeeze3A_252, %dot_general3A_253 {dimension_numbers = #tpu.dot_dimension_numbers<[1], [0], [0], [1], [0, 0, 1, 1], [], []>, transpose_lhs_hint = false} : vector<64x16xf32>, vector<16x128xf32>, vector<64x128xf32> -> vector<64x128xf32>
    %slice3A_255 = vector.extract_strided_slice %get3A_5 {offsets = [63, 0, 0], sizes = [1, 16, 128], strides = [1, 1, 1]} : vector<64x16x128xf32> to vector<1x16x128xf32>
    %squeeze3A_256 = vector.shape_cast %slice3A_255 : vector<1x16x128xf32> to vector<16x128xf32>
    %dot_general3A_257 = arith.constant dense<0.000000e+00> : vector<64x128xf32>
    %dot_general3A_258 = tpu.matmul %get3A_1, %squeeze3A_256, %dot_general3A_257 {dimension_numbers = #tpu.dot_dimension_numbers<[1], [0], [0], [1], [0, 0, 1, 1], [], []>, transpose_lhs_hint = false} : vector<64x16xf32>, vector<16x128xf32>, vector<64x128xf32> -> vector<64x128xf32>
    %concatenate3A = tpu.concatenate %dot_general3A_6, %dot_general3A_10, %dot_general3A_14, %dot_general3A_18, %dot_general3A_22, %dot_general3A_26, %dot_general3A_30, %dot_general3A_34, %dot_general3A_38, %dot_general3A_42, %dot_general3A_46, %dot_general3A_50, %dot_general3A_54, %dot_general3A_58, %dot_general3A_62, %dot_general3A_66, %dot_general3A_70, %dot_general3A_74, %dot_general3A_78, %dot_general3A_82, %dot_general3A_86, %dot_general3A_90, %dot_general3A_94, %dot_general3A_98, %dot_general3A_102, %dot_general3A_106, %dot_general3A_110, %dot_general3A_114, %dot_general3A_118, %dot_general3A_122, %dot_general3A_126, %dot_general3A_130, %dot_general3A_134, %dot_general3A_138, %dot_general3A_142, %dot_general3A_146, %dot_general3A_150, %dot_general3A_154, %dot_general3A_158, %dot_general3A_162, %dot_general3A_166, %dot_general3A_170, %dot_general3A_174, %dot_general3A_178, %dot_general3A_182, %dot_general3A_186, %dot_general3A_190, %dot_general3A_194, %dot_general3A_198, %dot_general3A_202, %dot_general3A_206, %dot_general3A_210, %dot_general3A_214, %dot_general3A_218, %dot_general3A_222, %dot_general3A_226, %dot_general3A_230, %dot_general3A_234, %dot_general3A_238, %dot_general3A_242, %dot_general3A_246, %dot_general3A_250, %dot_general3A_254, %dot_general3A_258 in 1 : vector<64x128xf32>, vector<64x128xf32>, vector<64x128xf32>, vector<64x128xf32>, vector<64x128xf32>, vector<64x128xf32>, vector<64x128xf32>, vector<64x128xf32>, vector<64x128xf32>, vector<64x128xf32>, vector<64x128xf32>, vector<64x128xf32>, vector<64x128xf32>, vector<64x128xf32>, vector<64x128xf32>, vector<64x128xf32>, vector<64x128xf32>, vector<64x128xf32>, vector<64x128xf32>, vector<64x128xf32>, vector<64x128xf32>, vector<64x128xf32>, vector<64x128xf32>, vector<64x128xf32>, vector<64x128xf32>, vector<64x128xf32>, vector<64x128xf32>, vector<64x128xf32>, vector<64x128xf32>, vector<64x128xf32>, vector<64x128xf32>, vector<64x128xf32>, vector<64x128xf32>, vector<64x128xf32>, vector<64x128xf32>, vector<64x128xf32>, vector<64x128xf32>, vector<64x128xf32>, vector<64x128xf32>, vector<64x128xf32>, vector<64x128xf32>, vector<64x128xf32>, vector<64x128xf32>, vector<64x128xf32>, vector<64x128xf32>, vector<64x128xf32>, vector<64x128xf32>, vector<64x128xf32>, vector<64x128xf32>, vector<64x128xf32>, vector<64x128xf32>, vector<64x128xf32>, vector<64x128xf32>, vector<64x128xf32>, vector<64x128xf32>, vector<64x128xf32>, vector<64x128xf32>, vector<64x128xf32>, vector<64x128xf32>, vector<64x128xf32>, vector<64x128xf32>, vector<64x128xf32>, vector<64x128xf32>, vector<64x128xf32> -> vector<64x8192xf32>
    %get3A_259 = arith.constant 0 : index
    %get3A_260 = arith.constant 0 : index
    %get3A_261 = vector.load %arg1[%get3A_259, %get3A_260] : memref<64x8192xbf16, #tpu.memory_space<vmem>>, vector<64x8192xbf16>
    %convert_element_type3A = arith.extf %get3A_261 : vector<64x8192xbf16> to vector<64x8192xf32>
    %add3A = arith.addf %convert_element_type3A, %concatenate3A : vector<64x8192xf32>
    %max3A = arith.constant 0.000000e+00 : f32
    %max3A_262 = vector.broadcast %max3A : f32 to vector<64x8192xf32>
    %max3A_263 = arith.maximumf %add3A, %max3A_262 : vector<64x8192xf32>
    %get3A_264 = arith.constant 0 : index
    %get3A_265 = arith.constant 0 : index
    %get3A_266 = vector.load %arg4[%get3A_264, %get3A_265] : memref<64x1xf32, #tpu.memory_space<vmem>>, vector<64x1xf32>
    %mul3A = vector.broadcast %get3A_266 : vector<64x1xf32> to vector<64x8192xf32>
    %mul3A_267 = arith.mulf %max3A_263, %mul3A : vector<64x8192xf32>
    %reduce_sum3A = arith.constant dense<0.000000e+00> : vector<8192xf32>
    %reduce_sum3A_268 = vector.multi_reduction <add>, %mul3A_267, %reduce_sum3A [0] : vector<64x8192xf32> to vector<8192xf32>
    %get3A_269 = arith.constant 0 : index
    %get3A_270 = arith.constant 0 : index
    %get3A_271 = vector.load %arg5[%get3A_269, %get3A_270] : memref<1x1xf32, #tpu.memory_space<vmem>>, vector<1x1xf32>
    %get3A_272 = vector.extract %get3A_271[0, 0] : f32 from vector<1x1xf32>
    %add3A_273 = vector.broadcast %get3A_272 : f32 to vector<8192xf32>
    %add3A_274 = arith.addf %reduce_sum3A_268, %add3A_273 : vector<8192xf32>
    %reshape3A = vector.shape_cast %add3A_274 : vector<8192xf32> to vector<1x8192xf32>
    %broadcast_in_dim3A = arith.constant 0.000000e+00 : f32
    %broadcast_in_dim3A_275 = vector.broadcast %broadcast_in_dim3A : f32 to vector<7x8192xf32>
    %concatenate3A_276 = tpu.concatenate %reshape3A, %broadcast_in_dim3A_275 in 0 : vector<1x8192xf32>, vector<7x8192xf32> -> vector<8x8192xf32>
    %swap3A = arith.constant 0 : index
    %swap3A_277 = arith.constant 0 : index
    %swap3A_278 = vector.load %arg6[%swap3A, %swap3A_277] : memref<8x8192xf32, #tpu.memory_space<vmem>>, vector<8x8192xf32>
    tpu.vector_store %arg6[%swap3A, %swap3A_277], %concatenate3A_276 {strides = array<i32>} : memref<8x8192xf32, #tpu.memory_space<vmem>>, vector<8x8192xf32>,
    return
  }
  func.func @transform_0(%arg0: i32) -> (i32, i32) {
    %c0_i32 = arith.constant 0 : i32
    %c0_i32_0 = arith.constant 0 : i32
    return %c0_i32, %arg0 : i32, i32
  }
  func.func @transform_1(%arg0: i32) -> (i32, i32, i32) {
    %c0_i32 = arith.constant 0 : i32
    %c0_i32_0 = arith.constant 0 : i32
    %c0_i32_1 = arith.constant 0 : i32
    return %arg0, %c0_i32, %c0_i32_0 : i32, i32, i32
  }
  func.func @transform_2(%arg0: i32) -> (i32, i32) {
    %c0_i32 = arith.constant 0 : i32
    %c0_i32_0 = arith.constant 0 : i32
    %c0_i32_1 = arith.constant 0 : i32
    return %c0_i32, %c0_i32_0 : i32, i32
  }
  func.func @transform_3(%arg0: i32) -> (i32, i32) {
    %c0_i32 = arith.constant 0 : i32
    %c0_i32_0 = arith.constant 0 : i32
    %c0_i32_1 = arith.constant 0 : i32
    return %c0_i32, %c0_i32_0 : i32, i32
  }
  func.func @transform_4(%arg0: i32) -> (i32, i32) {
    %c0_i32 = arith.constant 0 : i32
    %c0_i32_0 = arith.constant 0 : i32
    %c0_i32_1 = arith.constant 0 : i32
    return %c0_i32, %c0_i32_0 : i32, i32
  }
  func.func @transform_5(%arg0: i32) -> (i32, i32) {
    %c0_i32 = arith.constant 0 : i32
    %c0_i32_0 = arith.constant 0 : i32
    return %c0_i32, %arg0 : i32, i32
  }
}

</mosaic_0001>

<sc_bundles>
// kernel: kernel.5.cloned.1.call-start
scs
__scs_entry_jumppad:
0x0: {  	(pc) =	sbr.rel $0x88, $3  }
0x1: {  	(tag) =	ssettag $0x0;
	lr =	simm.s32 $0x1  }
0x2: {  	[smem:$0x3F9A] =	sst lr;
	_ =	strace $0xD0000000  }
0x3: {  	_ = 	snop  }
0x4: {  	_ = 	snop  }
0x5: {  	_ = 	snop  }
0x6: {  	_ = 	snop  }
0x7: {  	_ = 	snop  }
__scs_overlays_trampoline_lowered:
0x8: {  	[smem:$0x3FA9] =	sst s0  }
0x9: {  	[smem:$0x3FAA] =	sst s1  }
0xa: {  	[smem:$0x3FAB] =	sst s2  }
0xb: {  	[smem:$0x3FAC] =	sst s3  }
0xc: {  	[smem:$0x3FAD] =	sst s4  }
0xd: {  	[smem:$0x3FAE] =	sst s5  }
0xe: {  	[smem:$0x3FAF] =	sst s6  }
0xf: {  	[smem:$0x3FB0] =	sst s7  }
0x10: {  	[smem:$0x3FB1] =	sst s8  }
0x11: {  	[smem:$0x3FB2] =	sst s9;
	s0 =	simm.s32 @!p0 $0x0  }
0x12: {  	s1 =	sld [smem:$0x3F98];
	s0 =	simm.s32 @p0 $0x1  }
0x13: {  	[smem:$0x3FB3] =	sst s0;
	s0 =	simm.s32 @!p1 $0x0  }
0x14: {  	s2 =	sld [smem:$0x3F97];
	s0 =	simm.s32 @p1 $0x1  }
0x15: {  	[smem:$0x3FB4] =	sst s0;
	s0 =	simm.s32 @!p2 $0x0  }
0x16: {  	s3 =	sld [smem:$0x3FDB];
	s0 =	simm.s32 @p2 $0x1  }
0x17: {  	s4 =	simm.s32 $0x1BF5;
	[smem:$0x3FB6] =	sst s0  }
0x18: {  	s0 =	sld [smem:$0x3F99];
	_ =	swait.ge [sflag:s4], $0x0  }
0x19: {  	s7 =	sld [smem:$0x3F9A]  }
0x1a: {  	s8 =	sadd.s32 $0xFFFFE003, lr  }
0x1b: {  	s9 =	sadd.s32 $0xFFFFFEF7, lr;
	s5 =	simm.s32 $0xFFFFFFFF;
	p2 =	slt.u32 s8, $0xFFFFF086  }
0x1c: {  	p1 =	slt.u32 s9, $0xF7A;
	s5 =	simm.s32 @!p2 $0x0  }
0x1d: {  	s5 =	simm.s32 @p1 $0x1;
	p0 =	seq.s32 s7, s2  }
0x1e: {  	s7 =	smul.u32 @!p0 $0xF7A, s2;
	p2 =	seq.s32 @!p0 s5, $0x0  }
0x1f: {  	s9 =	smul.u32 $0xF7A, s1;
	s8 =	simm.s32 @!p0 $0x1BF5;
	p2 =	por !p2, p0  }
0x20: {  	[sflag:s8] =	ssyncset.s32 @!p0 $0xFFFFF086;
	s6 =	sadd.s32 @!p0 s3, s7;
	s7 =	simm.s32 @!p0 $0x108  }
0x21: {  	s3 =	sadd.s32 s3, s9;
	s6 =	sadd.s32 @!p0 $0x88, s6;
	s7 =	simm.s32 @p2 $0x1082  }
0x22: {  	[simem:s7], [sflag:s8] =	dma.local @!p0 [hbm:s6], $0xF7A  }
0x23: {  	s9 =	sor.u32 $0xD0000000, s2;
	s6 =	simm.s32 $0x108;
	_ =	swait.ge @!p0 [sflag:s8], $0x0  }
0x24: {  	s3 =	sadd.s32 $0x88, s3;
	s6 =	simm.s32 @!p1 $0x1082;
	[sflag:s4] =	ssyncset.s32 $0xFFFFF086  }
0x25: {  	[simem:s6], [sflag:s4] =	dma.local [hbm:s3], $0xF7A  }
0x26: {  	[smem:$0x3F9A] =	sst s1;
	(tag) =	ssettag s2;
	_ =	strace s9  }
0x27: {  	s1 =	sld [smem:$0x3FAA]  }
0x28: {  	s2 =	sld [smem:$0x3FAB]  }
0x29: {  	s4 =	sld [smem:$0x3FAD]  }
0x2a: {  	p0 =	seq.s32 s5, $0x0;
	s5 =	sld [smem:$0x3FAE]  }
0x2b: {  	s6 =	sld [smem:$0x3FAF]  }
0x2c: {  	s7 =	sld [smem:$0x3FB0]  }
0x2d: {  	s3 =	simm.s32 $0x108;
	s8 =	sld [smem:$0x3FB1]  }
0x2e: {  	s3 =	simm.s32 @!p0 $0x1082;
	s9 =	sld [smem:$0x3FB2]  }
0x2f: {  	lr =	sadd.s32 s0, s3;
	s0 =	sld [smem:$0x3FA9]  }
0x30: {  	s3 =	sld [smem:$0x3FAC]  }
0x31: {  	[smem:$0x3FB5] =	sst s10  }
0x32: {  	s10 =	sld [smem:$0x3FB3];
	_ =	sdelay $0x3  }
0x33: {  	p0 =	seq.s32 s10, $0x1;
	s10 =	sld [smem:$0x3FB5];
	_ =	sdelay $0x3  }
0x34: {  	[smem:$0x3FB5] =	sst s10  }
0x35: {  	s10 =	sld [smem:$0x3FB4];
	_ =	sdelay $0x3  }
0x36: {  	p1 =	seq.s32 s10, $0x1;
	s10 =	sld [smem:$0x3FB5];
	_ =	sdelay $0x3  }
0x37: {  	[smem:$0x3FB5] =	sst s10  }
0x38: {  	s10 =	sld [smem:$0x3FB6]  }
0x39: {  	_ = 	snop;
	(pc) =	sbr.ind lr, $3  }
0x3a: {  	_ = 	snop  }
0x3b: {  	_ = 	snop  }
0x3c: {  	p2 =	seq.s32 s10, $0x1;
	s10 =	sld [smem:$0x3FB5]  }
0x3d: {  	_ =	shalt  }
0x3e: {  	_ =	shalt  }
0x3f: {  	_ =	shalt  }
0x40: {  	_ =	shalt  }
0x41: {  	_ =	shalt  }
0x42: {  	_ =	shalt  }
0x43: {  	_ =	shalt  }
0x44: {  	_ =	shalt  }
0x45: {  	_ =	shalt  }
0x46: {  	_ =	shalt  }
0x47: {  	_ =	shalt  }
0x48: {  	_ =	shalt  }
0x49: {  	_ =	shalt  }
0x4a: {  	_ =	shalt  }
0x4b: {  	_ =	shalt  }
0x4c: {  	_ =	shalt  }
0x4d: {  	_ =	shalt  }
0x4e: {  	_ =	shalt  }
0x4f: {  	_ =	shalt  }
0x50: {  	_ =	shalt  }
0x51: {  	_ =	shalt  }
0x52: {  	_ =	shalt  }
0x53: {  	_ =	shalt  }
0x54: {  	_ =	shalt  }
0x55: {  	_ =	shalt  }
0x56: {  	_ =	shalt  }
0x57: {  	_ =	shalt  }
0x58: {  	_ =	shalt  }
0x59: {  	_ =	shalt  }
0x5a: {  	_ =	shalt  }
0x5b: {  	_ =	shalt  }
0x5c: {  	_ =	shalt  }
0x5d: {  	_ =	shalt  }
0x5e: {  	_ =	shalt  }
0x5f: {  	_ =	shalt  }
0x60: {  	_ =	shalt  }
0x61: {  	_ =	shalt  }
0x62: {  	_ =	shalt  }
0x63: {  	_ =	shalt  }
0x64: {  	_ =	shalt  }
0x65: {  	_ =	shalt  }
0x66: {  	_ =	shalt  }
0x67: {  	_ =	shalt  }
0x68: {  	_ =	shalt  }
0x69: {  	_ =	shalt  }
0x6a: {  	_ =	shalt  }
0x6b: {  	_ =	shalt  }
0x6c: {  	_ =	shalt  }
0x6d: {  	_ =	shalt  }
0x6e: {  	_ =	shalt  }
0x6f: {  	_ =	shalt  }
0x70: {  	_ =	shalt  }
0x71: {  	_ =	shalt  }
0x72: {  	_ =	shalt  }
0x73: {  	_ =	shalt  }
0x74: {  	_ =	shalt  }
0x75: {  	_ =	shalt  }
0x76: {  	_ =	shalt  }
0x77: {  	_ =	shalt  }
0x78: {  	_ =	shalt  }
0x79: {  	_ =	shalt  }
0x7a: {  	_ =	shalt  }
0x7b: {  	_ =	shalt  }
0x7c: {  	_ =	shalt  }
0x7d: {  	_ =	shalt  }
0x7e: {  	_ =	shalt  }
0x7f: {  	_ =	shalt  }
0x80: {  	_ =	shalt  }
0x81: {  	_ =	shalt  }
0x82: {  	_ =	shalt  }
0x83: {  	_ =	shalt  }
0x84: {  	_ =	shalt  }
0x85: {  	_ =	shalt  }
0x86: {  	_ =	shalt  }
0x87: {  	_ =	shalt  }
.Lfunc_end0:
.L_simem_size_0:
called_computation_lowered:
.L_overlay_start_0:
0x88: {  	s2 =	sld [smem:$0x3FD9]  }
0x89: {  	s3 =	sld [smem:$0x3FFE];
	_ =	sdelay $0x1  }
0x8a: {  	s1 =	srdreg.scid  }
0x8b: {  	s0 =	sand.u32 $0x1, s1  }
0x8c: {  	s17 =	sshll.u32 s0, $0xA;
	s2 =	sadd.s32 s3, s2  }
0x8d: {  	s2 =	sadd.s32 s2, s17  }
0x8e: {  	[smem:$0x3FC1] =	sst s2  }
0x8f: {  	_ = 	snop  }
0x90: {  	s2 =	sld [smem:$0x3FC9];
	(tm) =	ssettm $0x1  }
0x91: {  	s18 =	sld [smem:$0x3FFB];
	_ =	sdelay $0x3  }
0x92: {  	_ =	strace s18  }
0x93: {  	s3 =	sld [smem:$0x3FFC];
	_ =	sdelay $0x3  }
0x94: {  	_ =	strace s3  }
0x95: {  	s3 =	sld [smem:$0x3FFD];
	_ =	sdelay $0x3  }
0x96: {  	_ =	strace s3  }
0x97: {  	_ =	strace $0x8FFFFFFF  }
0x98: {  	s19 =	sld [smem:$0x3FDB];
	_ =	sdelay $0x1  }
0x99: {  	s4 =	simm.s32 $_scs_section_size  }
0x9a: {  	s5 =	simm.s32 $_size__tile_overlayer_lowered;
	s6 =	simm.s32 $_tile_overlayer_lowered  }
0x9b: {  	s22 =	simm.s32 $0x1BFF;
	s21 =	sshll.u32 s6, $0x1;
	s3 =	sadd.s32 s4, s19  }
0x9c: {  	s7 =	simm.s32 $0x0;
	s20 =	sshll.u32 s5, $0x1;
	s5 =	sadd.s32 s21, s3  }
0x9d: {  	[timem:s7], [sflag:s22] =	dma.local [hbm:s5], s20  }
0x9e: {  	_ =	swait.ge [sflag:s22], s20  }
0x9f: {  	s4 =	ssub.s32 $0x0, s20;
	[sflag:s22] =	ssyncset.done $0x0  }
0xa0: {  	[sflag:s22] =	ssyncadd.s32 s4;
	_ =	sdelay $0x1  }
0xa1: {  	s23 =	simm.s32 $0x1B8B  }
0xa2: {  	_ =	swait.ge [sflag:s23], $0x1  }
0xa3: {  	[sflag:s23] =	ssyncset.done $0x0  }
0xa4: {  	s25 =	simm.s32 $0x1B8E;
	s24 =	sld [smem:$0x3FFE];
	[sflag:s23] =	ssyncadd.s32 $0xFFFFFFFF  }
0xa5: {  	s26 =	simm.s32 $execute0_lowered;
	[smem:$0x3FD2] =	sst s25  }
0xa6: {  	s5 =	sshll.u32 s26, $0x1;
	_ =	strace $0x80000046;
	[dreg:$0x1] =	wrdreg $0xFFFFFFFF  }
0xa7: {  	s28 =	simm.s32 $_size_execute0_lowered;
	s3 =	sadd.s32 s3, s5;
	[dreg:$0x0] =	wrdreg $0x0  }
0xa8: {  	s5 =	sshll.u32 s28, $0x1;
	[dreg:$0x2] =	wrdreg s3  }
0xa9: {  	[dreg:$0x3] =	wrdreg s5  }
0xaa: {  	[dreg:$0x4] =	wrdreg $0xC0  }
0xab: {  	_ =	task [dreg:s7], $0x5FFFF  }
0xac: {  	[dreg:$0x1] =	wrdreg $0xFFFFFFFF  }
0xad: {  	[dreg:$0x0] =	wrdreg $0x60  }
0xae: {  	[dreg:$0x2] =	wrdreg s24  }
0xaf: {  	[dreg:$0x3] =	wrdreg s2  }
0xb0: {  	[dreg:$0x4] =	wrdreg $0x9  }
0xb1: {  	_ =	task.clear_ibuf [dreg:s7], $0x5FFFF;
	_ =	strace $0x90000046  }
0xb2: {  	s29 =	simm.s32 $0x9;
	_ =	strace $0x80000048  }
0xb3: {  	_ =	swait.ge [sflag:s29], $0x1  }
0xb4: {  	[sflag:s29] =	ssyncadd.s32 $0xFFFFFFFF  }
0xb5: {  	_ =	strace $0x90000048  }
0xb6: {  	_ =	sfence  }
0xb7: {  	s30 =	sld [smem:$0x0];
	_ =	sdelay $0x2  }
0xb8: {  	s31 =	sshll.u32 s1, $0xD;
	s1 =	sshrl.u32 s1, $0x2  }
0xb9: {  	s3 =	sand.u32 $0x4000, s31;
	s1 =	sadd.s32 s1, s30  }
0xba: {  	s0 =	sor.u32 s3, s0;
	s1 =	sshll.u32 s1, $0x11  }
0xbb: {  	s0 =	sor.u32 s1, s0  }
0xbc: {  	s0 =	sadd.s32 $0x8F2B, s0  }
0xbd: {  	[sflag:s0] =	ssyncadd.remote.s32 $0x1  }
0xbe: {  	_ =	sfence.sel $0xFFFF  }
0xbf: {  	[dreg:$0x0] =	wrdreg $0xFFFFFFFF;
	(pc) =	sbr.abs _section_cstart, $3  }
0xc0: {  	[dreg:$0x1] =	wrdreg $0xFFFFFFFF  }
0xc1: {  	_ =	task.clear_ibuf [dreg:s7], $0x2FFFF;
	_ =	strace $0x9FFFFFFF  }
0xc2: {  	(tm) =	ssettm $0x7FFFFFFF  }
0xc3: {  	_ =	shalt  }
tec
execute0_lowered:
.L_overlay_start_1:
0x0: {  	(tag) =	ssettag $0x1  }
0x1: {  	s4 =	rddreg [dreg:$0x0]  }
0x2: {  	s5 =	rddreg [dreg:$0x1]  }
0x3: {  	s0 =	rddreg [dreg:$0x2];
	s2 =	simm.s32 $0x0;
	s3 =	srdreg.scid  }
0x4: {  	s1 =	stileid.u32;
	s9 =	simm.s32 $0x1;
	s10 =	simm.s32 $0x200  }
0x5: {  	s11 =	simm.s32 $0x0;
	s6 =	sand.u32 $0x1, s3;
	s30 =	sshll.u32 s1, $0x1  }
0x6: {  	[smem:$0x7FF] =	sst s2;
	s3 =	sadd.s32 $0xE00, s4;
	s7 =	sor.u32 s6, s30  }
0x7: {  	_ =	strace $0x80000047;
	s6 =	ssub.s32 $0x2, s6;
	s8 =	sshll.u32 s7, $0xA  }
0x8: {  	s31 =	sshrl.u32 s6, $0x1;
	s7 =	sshll.u32 s7, $0x6;
	s8 =	sadd.s32 s8, s4  }
0x9: {  	s6 =	ssub.s32 s6, s31;
	s4 =	sadd.s32 s5, s7;
	s7 =	simm.s32 $0x2  }
0xa: {  	s5 =	sadd.s32 $0x31C00, s8;
	s6 =	smax.u32 s6, $0x1;
	s8 =	simm.s32 $0x80  }
.LBB2_1:
0xb: {  	[tilespmem:s2], [sflag:$0x2] =	stream.linear.gather [hbm4b:s4+s2], $0x200, $0x38;
	[tilespmem:$0x2200] =	vst v63  }
0xc: {  	s13 =	sand.u32 $0x3, s2;
	s12 =	simm.s32 $0x0  }
0xd: {  	s14 =	simm.s32 $0x0;
	_ =	swait.ge [sflag:s7], $0x200;
	s15 =	sshll.u32 s13, $0xB  }
0xe: {  	s16 =	sand.u32 $0x3FFFFF80, s12;
	s17 =	smul.u32 $0x30D4, s14;
	s12 =	simm.s32 $0x1  }
0xf: {  	s13 =	sshll.u32 s13, $0x7;
	[sflag:s7] =	ssyncset.done $0x0;
	s31 =	sadd.s32 s16, s15  }
0x10: {  	[sflag:s7] =	ssyncadd.s32 $0xFFFFFE00;
	s14 =	sadd.s32 $0x200, s31;
	s15 =	sadd.s32 s3, s17  }
.LBB2_2:
0x11: {  	[tilespmem:s14], [sflag:$0x1] =	stream.indirect.gather [hbm4b:s15+s8], $0x1, s13, s8, $0xb8;
	[tilespmem:$0x2200] =	vst v63  }
0x12: {  	s13 =	smov.u32 s12;
	p0 =	sne.s32 s12, $0x3F  }
.Ltmp0:
0x13: {  	s12 =	sadd.s32 $0x1, s12;
	(pc) =	sbr.rel @p0 .LBB2_2-.Ltmp0, $4  }
0x14: {  	s14 =	sand.u32 $0x3, s13;
	s15 =	sshll.u32 s13, $0x5;
	s13 =	sshrl.u32 s13, $0x2  }
0x15: {  	s16 =	sshll.u32 s14, $0xB;
	s15 =	sand.u32 $0x3FFFFF80, s15;
	s17 =	smul.u32 $0x30D4, s13  }
0x16: {  	s15 =	sadd.s32 s15, s16  }
0x17: {  	s13 =	sshll.u32 s14, $0x7;
	s14 =	sadd.s32 $0x200, s15;
	s15 =	sadd.s32 s3, s17  }
0x18: {  	[tilespmem:s14], [sflag:$0x1] =	stream.indirect.gather [hbm4b:s15+s8], $0x1, s13, s8, $0xb8;
	[tilespmem:$0x2200] =	vst v63  }
0x19: {  	s11 =	sadd.s32 $0x1, s11;
	_ =	swait.ge [sflag:s9], $0x2000  }
0x1a: {  	p0 =	sne.s32 s11, s6;
	[sflag:s9] =	ssyncset.done $0x0  }
.Ltmp1:
0x1b: {  	[sflag:s9] =	ssyncadd.s32 $0xFFFFE000;
	(pc) =	sbr.rel @p0 .LBB2_1-.Ltmp1, $4  }
0x1c: {  	[hbm4b:s5+s2] =	stream.linear.scatter [tilespmem:s10], [sflag:$0x2], $0x2000, $0x38;
	[tilespmem:$0x2200] =	vst v63  }
0x1d: {  	_ =	swait.ge [sflag:s7], $0x2000  }
0x1e: {  	[sflag:s7] =	ssyncset.done $0x0  }
0x1f: {  	[sflag:s7] =	ssyncadd.s32 $0xFFFFE000  }
0x20: {  	_ =	sfence.sel $0x180000  }
0x21: {  	[bflag:$0x0] =	sbarrier.arrive $0xFFFF  }
0x22: {  	p0 =	sne.s32 s1, $0x0;
	_ =	strace $0x90000047  }
0x23: {  	s0 =	sadd.s32 @!p0 $0x100000, s0;
	[bflag:$0x2] =	sbarrier.arrive $0xFFFF  }
0x24: {  	[sflag:s0] =	ssyncadd.tile.s32 @!p0 $0x1;
	_ =	shalt  }
.Lfunc_end2:
_tile_overlayer_lowered:
.L_overlay_start_2:
0x25: {  	(tag) =	ssettag $0x2  }
0x26: {  	s0 =	rddreg [dreg:$0x0];
	s2 =	stileid.u32  }
0x27: {  	s1 =	rddreg [dreg:$0x1];
	p0 =	sne.s32 s2, $0x0  }
0x28: {  	s3 =	rddreg [dreg:$0x2];
	[bflag:$0x3] =	sbarrier.arrive $0xFFFF;
	s2 =	simm.s32 @!p0 $0x1C02  }
0x29: {  	[timem:s3], [sflag:s2] =	dma.local @!p0 [hbm:s0], s1  }
0x2a: {  	s0 =	simm.s32 @!p0 $0x2  }
0x2b: {  	_ =	swait.ge @!p0 [sflag:s0], s1  }
0x2c: {  	s1 =	ssub.s32 @!p0 $0x0, s1;
	[sflag:s0] =	ssyncset.done @!p0 $0x0  }
0x2d: {  	[sflag:s0] =	ssyncadd.s32 @!p0 s1  }
0x2e: {  	[bflag:$0x3] =	sbarrier.arrive $0xFFFF  }
0x2f: {  	_ =	shalt  }

</sc_bundles>
